<compile_context>
chip_gen: v7x
topology: tpu7x:2x2x1
jax: 0.10.2.dev20260603
libtpu: 0.0.44.dev20260713+nightly
codegen_flags: <defaults>
</compile_context>

<pallas_src>
import jax
import jax.numpy as jnp
from jax import lax
from jax.experimental import pallas as pl
from jax.experimental.pallas import tpu as pltpu
from jax.experimental.pallas import tpu_sc as plsc

N, K, H, W = 1, 16, 64, 64
L = 16
Q = W // L


def _decode_kernel(hm_hbm, cen_hbm, scl_hbm, out_hbm, mv_hbm,
                   hm_v, cen_v, scl_v, res_v, big_v, stage_v, shared,
                   sem0, sem1, sem2):
    s = lax.axis_index("s")

    cp_hm = pltpu.async_copy(hm_hbm.at[0, s], hm_v, sem0)
    cp_c = pltpu.async_copy(cen_hbm, cen_v, sem1)
    cp_s = pltpu.async_copy(scl_hbm, scl_v, sem2)
    cp_hm.wait()

    lanes = lax.broadcasted_iota(jnp.int32, (L,), 0)
    neg = jnp.full((L,), -jnp.inf, jnp.float32)
    zeroi = jnp.zeros((L,), jnp.int32)

    R = 2
    NA = R * Q

    def body(i, carry):
        new = []
        for p in range(R):
            r = i * R + p
            for q in range(Q):
                k = p * Q + q
                rmax, rrow = carry[2 * k], carry[2 * k + 1]
                v = hm_v[r, pl.ds(q * L, L)]
                take = v > rmax
                new.append(jnp.maximum(v, rmax))
                new.append(jnp.where(take, r, rrow))
        return tuple(new)

    acc = lax.fori_loop(0, H // R, body, (neg, zeroi) * NA)

    vals = [acc[2 * k] for k in range(NA)]
    idxs = [acc[2 * k + 1] * W + ((k % Q) * L) + lanes for k in range(NA)]
    n = NA
    while n > 1:
        n //= 2
        for k in range(n):
            v1, i1 = vals[k], idxs[k]
            v2, i2 = vals[k + n], idxs[k + n]
            take2 = (v2 > v1) | ((v2 == v1) & (i2 < i1))
            vals[k] = jnp.where(take2, v2, v1)
            idxs[k] = jnp.where(take2, i2, i1)
    rmax, rflat = vals[0], idxs[0]

    m = jnp.max(rmax)
    cand = jnp.where(rmax == m, rflat, H * W)
    idx = jnp.min(cand)

    valid = m > 0.0
    px = jnp.where(valid, idx & (W - 1), -1)
    py = jnp.where(valid, idx >> 6, -1)
    pxf = px.astype(jnp.float32)
    pyf = py.astype(jnp.float32)

    inb = (px > 1) & (px < W - 1) & (py > 1) & (py < H - 1)
    pxc = jnp.clip(px, 1, W - 2)
    pyc = jnp.clip(py, 1, H - 2)

    rowv = pyc + jnp.where(lanes == 2, 1, jnp.where(lanes == 3, -1, 0))
    colv = pxc + jnp.where(lanes == 0, 1, jnp.where(lanes == 1, -1, 0))
    v4 = plsc.load_gather(hm_v, [rowv, colv])
    zero = jnp.zeros((L,), jnp.float32)
    dx = jnp.sum(jnp.where(lanes == 0, v4, jnp.where(lanes == 1, -v4, zero)))
    dy = jnp.sum(jnp.where(lanes == 2, v4, jnp.where(lanes == 3, -v4, zero)))

    rx = pxf + jnp.where(inb, jnp.sign(dx) * 0.25, 0.0)
    ry = pyf + jnp.where(inb, jnp.sign(dy) * 0.25, 0.0)

    cp_c.wait()
    cp_s.wait()
    zer16 = jnp.zeros((L,), jnp.int32)
    pair = jnp.minimum(lanes, 1)
    cv = plsc.load_gather(cen_v, [zer16, pair])
    sv = plsc.load_gather(scl_v, [zer16, pair])
    cx = cv[0]
    cy = cv[1]
    scx = sv[0] * 200.0
    scy = sv[1] * 200.0
    tx = rx * (scx * (1.0 / W)) + cx - scx * 0.5
    ty = ry * (scy * (1.0 / H)) + cy - scy * 0.5

    res_v[...] = jnp.where(
        lanes == 0, tx,
        jnp.where(lanes == 1, ty, jnp.where(lanes == 2, m, zero)))
    pltpu.sync_copy(res_v, shared.at[pl.ds(s * L, L)])
    plsc.subcore_barrier()

    @pl.when(s == 0)
    def _():
        pltpu.sync_copy(shared, big_v)
        half = (lanes >> 1) * L + (lanes & 1)
        ab = plsc.load_gather(big_v, [half])
        cd = plsc.load_gather(big_v, [half + 8 * L])
        stage_v[pl.ds(0, L)] = ab
        stage_v[pl.ds(L, L)] = cd
        pltpu.sync_copy(stage_v, out_hbm)

    @pl.when(s == 1)
    def _():
        pltpu.sync_copy(shared, big_v)
        mv = plsc.load_gather(big_v, [lanes * L + 2])
        res_v[...] = mv
        pltpu.sync_copy(res_v, mv_hbm)


@jax.jit
def kernel(heatmaps, center, scale):
    mesh = plsc.VectorSubcoreMesh(
        core_axis_name="c", subcore_axis_name="s", num_cores=1)
    run = pl.kernel(
        _decode_kernel,
        out_type=(jax.ShapeDtypeStruct((2 * L,), jnp.float32),
                  jax.ShapeDtypeStruct((L,), jnp.float32)),
        mesh=mesh,
        scratch_types=[
            pltpu.VMEM((H, W), jnp.float32),
            pltpu.VMEM((1, 2), jnp.float32),
            pltpu.VMEM((1, 2), jnp.float32),
            pltpu.VMEM((L,), jnp.float32),
            pltpu.VMEM((K * L,), jnp.float32),
            pltpu.VMEM((2 * L,), jnp.float32),
            pltpu.VMEM_SHARED((K * L,), jnp.float32),
            pltpu.SemaphoreType.DMA,
            pltpu.SemaphoreType.DMA,
            pltpu.SemaphoreType.DMA,
        ],
        compiler_params=pltpu.CompilerParams(needs_layout_passes=False),
    )
    out_flat, mv_flat = run(heatmaps, center, scale)
    return out_flat.reshape(N, K, 2), mv_flat.reshape(N, K, 1)

# --- scband reference (transcript-rebuilt; emitter-appended) ---
"""Pipeline reference for scband-get-land-marks-net-69106023793412 (READ-ONLY COPY).

The authoritative reference and input builder live on the scoring server;
editing this copy changes nothing except your own understanding.
"""

import jax, jax.numpy as jnp
import numpy as np

N, K, H, W = 1, 16, 64, 64

def setup_inputs(seed: int = 0):
    key = jax.random.key(seed)
    k1, k2, k3 = jax.random.split(key, 3)
    heatmaps = jax.random.uniform(k1, (N, K, H, W), dtype=jnp.float32)
    center = jax.random.uniform(k2, (N, 2), dtype=jnp.float32) * 100.0 + 100.0
    scale = jax.random.uniform(k3, (N, 2), dtype=jnp.float32) + 0.5
    return {"heatmaps": heatmaps, "center": center, "scale": scale}

def _forward(heatmaps, center, scale):
    # _get_max_preds: argmax over flattened H*W per (n, k)
    hm = heatmaps.reshape(N, K, H * W)
    idx = jnp.argmax(hm, axis=2)                      # (N, K)
    maxvals = jnp.max(hm, axis=2)[..., None]          # (N, K, 1)
    px = (idx % W).astype(jnp.float32)
    py = (idx // W).astype(jnp.float32)
    coords = jnp.stack([px, py], axis=-1)             # (N, K, 2)
    preds = jnp.where(maxvals > 0.0, coords, -1.0)    # mask invalid with -1

    # quarter-offset refinement toward the gradient of the heatmap at the peak
    ipx = preds[..., 0].astype(jnp.int32)
    ipy = preds[..., 1].astype(jnp.int32)

    def refine(hmk, pxk, pyk, predk):
        inb = (pxk > 1) & (pxk < W - 1) & (pyk > 1) & (pyk < H - 1)
        pxc = jnp.clip(pxk, 1, W - 2)
        pyc = jnp.clip(pyk, 1, H - 2)
        dx = hmk[pyc, pxc + 1] - hmk[pyc, pxc - 1]
        dy = hmk[pyc + 1, pxc] - hmk[pyc - 1, pxc]
        diff = jnp.stack([dx, dy])
        off = jnp.sign(diff) * 0.25                   # sign_alt(diff) * 0.25
        return jnp.where(inb, predk + off, predk)

    refined = jax.vmap(jax.vmap(refine))(heatmaps, ipx, ipy, preds)  # (N, K, 2)

    # _transform_preds: map heatmap coords back to image coords
    sc = scale * 200.0                                # (N, 2)
    scale_x = sc[:, 0] / W
    scale_y = sc[:, 1] / H
    tx = refined[..., 0] * scale_x[:, None] + center[:, 0:1] - sc[:, 0:1] * 0.5
    ty = refined[..., 1] * scale_y[:, None] + center[:, 1:2] - sc[:, 1:2] * 0.5
    out = jnp.stack([tx, ty], axis=-1)                # (N, K, 2)
    return out, maxvals

def reference(heatmaps, center, scale):
    return _forward(heatmaps, center, scale)

if __name__ == "__main__":
    import jax
    _d = setup_inputs()
    print(jax.jit(kernel)(*tuple(_d.values())))

</pallas_src>

<mosaic_0001>
#map = affine_map<(d0, d1) -> (0, 0, 0, 0)>
#map1 = affine_map<(d0, d1) -> (0, 0)>
#map2 = affine_map<(d0, d1) -> (0)>
module attributes {stable_mosaic.version = 14 : i64} {
  func.func @_decode_kernel(%arg0: i32, %arg1: i32, %arg2: memref<1x16x64x64xf32, #tpu.memory_space<hbm>>, %arg3: memref<1x2xf32, #tpu.memory_space<hbm>>, %arg4: memref<1x2xf32, #tpu.memory_space<hbm>>, %arg5: memref<32xf32, #tpu.memory_space<hbm>>, %arg6: memref<16xf32, #tpu.memory_space<hbm>>, %arg7: memref<64x64xf32, #tpu.memory_space<vmem>>, %arg8: memref<1x2xf32, #tpu.memory_space<vmem>>, %arg9: memref<1x2xf32, #tpu.memory_space<vmem>>, %arg10: memref<16xf32, #tpu.memory_space<vmem>>, %arg11: memref<256xf32, #tpu.memory_space<vmem>>, %arg12: memref<32xf32, #tpu.memory_space<vmem>>, %arg13: memref<256xf32, #tpu.memory_space<vmem_shared>>, %arg14: memref<!tpu.dma_semaphore, #tpu.memory_space<semaphore_mem>>, %arg15: memref<!tpu.dma_semaphore, #tpu.memory_space<semaphore_mem>>, %arg16: memref<!tpu.dma_semaphore, #tpu.memory_space<semaphore_mem>>) attributes {dimension_semantics = [#tpu.dimension_semantics<core_parallel>, #tpu.dimension_semantics<subcore_parallel>], iteration_bounds = array<i64: 1, 16>, scalar_prefetch = 0 : i64, scratch_operands = 10 : i64, tpu.core_type = #tpu.core_type<sc_vector_subcore>, window_params = [{transform_indices = #map}, {transform_indices = #map1}, {transform_indices = #map1}, {transform_indices = #map2}, {transform_indices = #map2}]} {
    %dma_start3A = arith.constant 0 : i32
    %dma_start3A_0 = arith.constant 0 : i32
    %dma_start3A_1 = arith.constant 0 : i32
    %dma_start3A_2 = tpu.memref_slice %arg2[%dma_start3A, %arg1, %dma_start3A_0, %dma_start3A_1] : memref<1x16x64x64xf32, #tpu.memory_space<hbm>> -> memref<1x1x64x64xf32, #tpu.memory_space<hbm>>
    %dma_start3A_3 = tpu.memref_squeeze %dma_start3A_2 : memref<1x1x64x64xf32, #tpu.memory_space<hbm>> -> memref<64x64xf32, #tpu.memory_space<hbm>>
    %dma_start3A_4 = arith.constant 0 : i32
    %dma_start3A_5 = arith.constant 0 : i32
    %dma_start3A_6 = tpu.memref_slice %arg2[%dma_start3A, %arg1, %dma_start3A_4, %dma_start3A_5] : memref<1x16x64x64xf32, #tpu.memory_space<hbm>> -> memref<1x1x64x64xf32, #tpu.memory_space<hbm>>
    %dma_start3A_7 = tpu.memref_squeeze %dma_start3A_6 : memref<1x1x64x64xf32, #tpu.memory_space<hbm>> -> memref<64x64xf32, #tpu.memory_space<hbm>>
    tpu.enqueue_dma source(%dma_start3A_7 : memref<64x64xf32, #tpu.memory_space<hbm>>) target(%arg7 : memref<64x64xf32, #tpu.memory_space<vmem>>) target_semaphore(%arg14 : memref<!tpu.dma_semaphore, #tpu.memory_space<semaphore_mem>>)
    tpu.enqueue_dma source(%arg3 : memref<1x2xf32, #tpu.memory_space<hbm>>) target(%arg8 : memref<1x2xf32, #tpu.memory_space<vmem>>) target_semaphore(%arg15 : memref<!tpu.dma_semaphore, #tpu.memory_space<semaphore_mem>>)
    tpu.enqueue_dma source(%arg4 : memref<1x2xf32, #tpu.memory_space<hbm>>) target(%arg9 : memref<1x2xf32, #tpu.memory_space<vmem>>) target_semaphore(%arg16 : memref<!tpu.dma_semaphore, #tpu.memory_space<semaphore_mem>>)
    %dma_wait3A = arith.constant 0 : i32
    %dma_wait3A_8 = arith.constant 0 : i32
    %dma_wait3A_9 = arith.constant 0 : i32
    %dma_wait3A_10 = tpu.memref_slice %arg2[%dma_wait3A, %arg1, %dma_wait3A_8, %dma_wait3A_9] : memref<1x16x64x64xf32, #tpu.memory_space<hbm>> -> memref<1x1x64x64xf32, #tpu.memory_space<hbm>>
    %dma_wait3A_11 = tpu.memref_squeeze %dma_wait3A_10 : memref<1x1x64x64xf32, #tpu.memory_space<hbm>> -> memref<64x64xf32, #tpu.memory_space<hbm>>
    %dma_wait3A_12 = arith.constant 0 : i32
    %dma_wait3A_13 = arith.constant 0 : i32
    %dma_wait3A_14 = tpu.memref_slice %arg2[%dma_wait3A, %arg1, %dma_wait3A_12, %dma_wait3A_13] : memref<1x16x64x64xf32, #tpu.memory_space<hbm>> -> memref<1x1x64x64xf32, #tpu.memory_space<hbm>>
    %dma_wait3A_15 = tpu.memref_squeeze %dma_wait3A_14 : memref<1x1x64x64xf32, #tpu.memory_space<hbm>> -> memref<64x64xf32, #tpu.memory_space<hbm>>
    tpu.wait_dma2 semaphore(%arg14 : memref<!tpu.dma_semaphore, #tpu.memory_space<semaphore_mem>>) src(%dma_wait3A_15 : memref<64x64xf32, #tpu.memory_space<hbm>>) dst(%arg7 : memref<64x64xf32, #tpu.memory_space<vmem>>)
    %iota3A = tpu.iota {dimensions = array<i32: 0>} : vector<16xi32>
    %broadcast_in_dim3A = arith.constant 0xFF800000 : f32
    %broadcast_in_dim3A_16 = vector.broadcast %broadcast_in_dim3A : f32 to vector<16xf32>
    %broadcast_in_dim3A_17 = arith.constant 0 : i32
    %broadcast_in_dim3A_18 = vector.broadcast %broadcast_in_dim3A_17 : i32 to vector<16xi32>
    %scan3A = arith.constant 0 : i32
    %scan3A_19 = arith.constant 32 : i32
    %scan3A_20 = arith.addi %scan3A, %scan3A_19 : i32
    %scan3A_21 = arith.constant 1 : i32
    %scan3A_22:16 = scf.for %scan3A_310 = %scan3A to %scan3A_20 step %scan3A_21 iter_args(%scan3A_311 = %broadcast_in_dim3A_16, %scan3A_312 = %broadcast_in_dim3A_18, %scan3A_313 = %broadcast_in_dim3A_16, %scan3A_314 = %broadcast_in_dim3A_18, %scan3A_315 = %broadcast_in_dim3A_16, %scan3A_316 = %broadcast_in_dim3A_18, %scan3A_317 = %broadcast_in_dim3A_16, %scan3A_318 = %broadcast_in_dim3A_18, %scan3A_319 = %broadcast_in_dim3A_16, %scan3A_320 = %broadcast_in_dim3A_18, %scan3A_321 = %broadcast_in_dim3A_16, %scan3A_322 = %broadcast_in_dim3A_18, %scan3A_323 = %broadcast_in_dim3A_16, %scan3A_324 = %broadcast_in_dim3A_18, %scan3A_325 = %broadcast_in_dim3A_16, %scan3A_326 = %broadcast_in_dim3A_18) -> (vector<16xf32>, vector<16xi32>, vector<16xf32>, vector<16xi32>, vector<16xf32>, vector<16xi32>, vector<16xf32>, vector<16xi32>, vector<16xf32>, vector<16xi32>, vector<16xf32>, vector<16xi32>, vector<16xf32>, vector<16xi32>, vector<16xf32>, vector<16xi32>)  : i32 {
      %mul3A_327 = arith.constant 2 : i32
      %mul3A_328 = arith.muli %scan3A_310, %mul3A_327 : i32
      %add3A_329 = arith.constant 0 : i32
      %add3A_330 = arith.addi %mul3A_328, %add3A_329 : i32
      %get3A = arith.index_cast %add3A_330 : i32 to index
      %get3A_331 = arith.constant 0 : index
      %get3A_332 = tpu.vector_load %arg7[%get3A, %get3A_331] {strides = array<i32>} : memref<64x64xf32, #tpu.memory_space<vmem>>, vector<16xf32>,
      %gt3A_333 = arith.cmpf ogt, %get3A_332, %scan3A_311 : vector<16xf32>
      %max3A_334 = arith.maximumf %get3A_332, %scan3A_311 : vector<16xf32>
      %broadcast_in_dim3A_335 = vector.broadcast %add3A_330 : i32 to vector<16xi32>
      %select_n3A_336 = arith.select %gt3A_333, %broadcast_in_dim3A_335, %scan3A_312 : vector<16xi1>, vector<16xi32>
      %get3A_337 = arith.index_cast %add3A_330 : i32 to index
      %get3A_338 = arith.constant 16 : index
      %get3A_339 = tpu.vector_load %arg7[%get3A_337, %get3A_338] {strides = array<i32>} : memref<64x64xf32, #tpu.memory_space<vmem>>, vector<16xf32>,
      %gt3A_340 = arith.cmpf ogt, %get3A_339, %scan3A_313 : vector<16xf32>
      %max3A_341 = arith.maximumf %get3A_339, %scan3A_313 : vector<16xf32>
      %broadcast_in_dim3A_342 = vector.broadcast %add3A_330 : i32 to vector<16xi32>
      %select_n3A_343 = arith.select %gt3A_340, %broadcast_in_dim3A_342, %scan3A_314 : vector<16xi1>, vector<16xi32>
      %get3A_344 = arith.index_cast %add3A_330 : i32 to index
      %get3A_345 = arith.constant 32 : index
      %get3A_346 = tpu.vector_load %arg7[%get3A_344, %get3A_345] {strides = array<i32>} : memref<64x64xf32, #tpu.memory_space<vmem>>, vector<16xf32>,
      %gt3A_347 = arith.cmpf ogt, %get3A_346, %scan3A_315 : vector<16xf32>
      %max3A_348 = arith.maximumf %get3A_346, %scan3A_315 : vector<16xf32>
      %broadcast_in_dim3A_349 = vector.broadcast %add3A_330 : i32 to vector<16xi32>
      %select_n3A_350 = arith.select %gt3A_347, %broadcast_in_dim3A_349, %scan3A_316 : vector<16xi1>, vector<16xi32>
      %get3A_351 = arith.index_cast %add3A_330 : i32 to index
      %get3A_352 = arith.constant 48 : index
      %get3A_353 = tpu.vector_load %arg7[%get3A_351, %get3A_352] {strides = array<i32>} : memref<64x64xf32, #tpu.memory_space<vmem>>, vector<16xf32>,
      %gt3A_354 = arith.cmpf ogt, %get3A_353, %scan3A_317 : vector<16xf32>
      %max3A_355 = arith.maximumf %get3A_353, %scan3A_317 : vector<16xf32>
      %broadcast_in_dim3A_356 = vector.broadcast %add3A_330 : i32 to vector<16xi32>
      %select_n3A_357 = arith.select %gt3A_354, %broadcast_in_dim3A_356, %scan3A_318 : vector<16xi1>, vector<16xi32>
      %mul3A_358 = arith.constant 2 : i32
      %mul3A_359 = arith.muli %scan3A_310, %mul3A_358 : i32
      %add3A_360 = arith.constant 1 : i32
      %add3A_361 = arith.addi %mul3A_359, %add3A_360 : i32
      %get3A_362 = arith.index_cast %add3A_361 : i32 to index
      %get3A_363 = arith.constant 0 : index
      %get3A_364 = tpu.vector_load %arg7[%get3A_362, %get3A_363] {strides = array<i32>} : memref<64x64xf32, #tpu.memory_space<vmem>>, vector<16xf32>,
      %gt3A_365 = arith.cmpf ogt, %get3A_364, %scan3A_319 : vector<16xf32>
      %max3A_366 = arith.maximumf %get3A_364, %scan3A_319 : vector<16xf32>
      %broadcast_in_dim3A_367 = vector.broadcast %add3A_361 : i32 to vector<16xi32>
      %select_n3A_368 = arith.select %gt3A_365, %broadcast_in_dim3A_367, %scan3A_320 : vector<16xi1>, vector<16xi32>
      %get3A_369 = arith.index_cast %add3A_361 : i32 to index
      %get3A_370 = arith.constant 16 : index
      %get3A_371 = tpu.vector_load %arg7[%get3A_369, %get3A_370] {strides = array<i32>} : memref<64x64xf32, #tpu.memory_space<vmem>>, vector<16xf32>,
      %gt3A_372 = arith.cmpf ogt, %get3A_371, %scan3A_321 : vector<16xf32>
      %max3A_373 = arith.maximumf %get3A_371, %scan3A_321 : vector<16xf32>
      %broadcast_in_dim3A_374 = vector.broadcast %add3A_361 : i32 to vector<16xi32>
      %select_n3A_375 = arith.select %gt3A_372, %broadcast_in_dim3A_374, %scan3A_322 : vector<16xi1>, vector<16xi32>
      %get3A_376 = arith.index_cast %add3A_361 : i32 to index
      %get3A_377 = arith.constant 32 : index
      %get3A_378 = tpu.vector_load %arg7[%get3A_376, %get3A_377] {strides = array<i32>} : memref<64x64xf32, #tpu.memory_space<vmem>>, vector<16xf32>,
      %gt3A_379 = arith.cmpf ogt, %get3A_378, %scan3A_323 : vector<16xf32>
      %max3A_380 = arith.maximumf %get3A_378, %scan3A_323 : vector<16xf32>
      %broadcast_in_dim3A_381 = vector.broadcast %add3A_361 : i32 to vector<16xi32>
      %select_n3A_382 = arith.select %gt3A_379, %broadcast_in_dim3A_381, %scan3A_324 : vector<16xi1>, vector<16xi32>
      %get3A_383 = arith.index_cast %add3A_361 : i32 to index
      %get3A_384 = arith.constant 48 : index
      %get3A_385 = tpu.vector_load %arg7[%get3A_383, %get3A_384] {strides = array<i32>} : memref<64x64xf32, #tpu.memory_space<vmem>>, vector<16xf32>,
      %gt3A_386 = arith.cmpf ogt, %get3A_385, %scan3A_325 : vector<16xf32>
      %max3A_387 = arith.maximumf %get3A_385, %scan3A_325 : vector<16xf32>
      %broadcast_in_dim3A_388 = vector.broadcast %add3A_361 : i32 to vector<16xi32>
      %select_n3A_389 = arith.select %gt3A_386, %broadcast_in_dim3A_388, %scan3A_326 : vector<16xi1>, vector<16xi32>
      scf.yield %max3A_334, %select_n3A_336, %max3A_341, %select_n3A_343, %max3A_348, %select_n3A_350, %max3A_355, %select_n3A_357, %max3A_366, %select_n3A_368, %max3A_373, %select_n3A_375, %max3A_380, %select_n3A_382, %max3A_387, %select_n3A_389 : vector<16xf32>, vector<16xi32>, vector<16xf32>, vector<16xi32>, vector<16xf32>, vector<16xi32>, vector<16xf32>, vector<16xi32>, vector<16xf32>, vector<16xi32>, vector<16xf32>, vector<16xi32>, vector<16xf32>, vector<16xi32>, vector<16xf32>, vector<16xi32>
    }
    %scan3A_23 = arith.constant 32 : i32
    %mul3A = arith.constant 64 : i32
    %mul3A_24 = vector.broadcast %mul3A : i32 to vector<16xi32>
    %mul3A_25 = arith.muli %scan3A_22#1, %mul3A_24 : vector<16xi32>
    %add3A = arith.constant 0 : i32
    %add3A_26 = vector.broadcast %add3A : i32 to vector<16xi32>
    %add3A_27 = arith.addi %mul3A_25, %add3A_26 : vector<16xi32>
    %add3A_28 = arith.addi %add3A_27, %iota3A : vector<16xi32>
    %mul3A_29 = arith.constant 64 : i32
    %mul3A_30 = vector.broadcast %mul3A_29 : i32 to vector<16xi32>
    %mul3A_31 = arith.muli %scan3A_22#3, %mul3A_30 : vector<16xi32>
    %add3A_32 = arith.constant 16 : i32
    %add3A_33 = vector.broadcast %add3A_32 : i32 to vector<16xi32>
    %add3A_34 = arith.addi %mul3A_31, %add3A_33 : vector<16xi32>
    %add3A_35 = arith.addi %add3A_34, %iota3A : vector<16xi32>
    %mul3A_36 = arith.constant 64 : i32
    %mul3A_37 = vector.broadcast %mul3A_36 : i32 to vector<16xi32>
    %mul3A_38 = arith.muli %scan3A_22#5, %mul3A_37 : vector<16xi32>
    %add3A_39 = arith.constant 32 : i32
    %add3A_40 = vector.broadcast %add3A_39 : i32 to vector<16xi32>
    %add3A_41 = arith.addi %mul3A_38, %add3A_40 : vector<16xi32>
    %add3A_42 = arith.addi %add3A_41, %iota3A : vector<16xi32>
    %mul3A_43 = arith.constant 64 : i32
    %mul3A_44 = vector.broadcast %mul3A_43 : i32 to vector<16xi32>
    %mul3A_45 = arith.muli %scan3A_22#7, %mul3A_44 : vector<16xi32>
    %add3A_46 = arith.constant 48 : i32
    %add3A_47 = vector.broadcast %add3A_46 : i32 to vector<16xi32>
    %add3A_48 = arith.addi %mul3A_45, %add3A_47 : vector<16xi32>
    %add3A_49 = arith.addi %add3A_48, %iota3A : vector<16xi32>
    %mul3A_50 = arith.constant 64 : i32
    %mul3A_51 = vector.broadcast %mul3A_50 : i32 to vector<16xi32>
    %mul3A_52 = arith.muli %scan3A_22#9, %mul3A_51 : vector<16xi32>
    %add3A_53 = arith.constant 0 : i32
    %add3A_54 = vector.broadcast %add3A_53 : i32 to vector<16xi32>
    %add3A_55 = arith.addi %mul3A_52, %add3A_54 : vector<16xi32>
    %add3A_56 = arith.addi %add3A_55, %iota3A : vector<16xi32>
    %mul3A_57 = arith.constant 64 : i32
    %mul3A_58 = vector.broadcast %mul3A_57 : i32 to vector<16xi32>
    %mul3A_59 = arith.muli %scan3A_22#11, %mul3A_58 : vector<16xi32>
    %add3A_60 = arith.constant 16 : i32
    %add3A_61 = vector.broadcast %add3A_60 : i32 to vector<16xi32>
    %add3A_62 = arith.addi %mul3A_59, %add3A_61 : vector<16xi32>
    %add3A_63 = arith.addi %add3A_62, %iota3A : vector<16xi32>
    %mul3A_64 = arith.constant 64 : i32
    %mul3A_65 = vector.broadcast %mul3A_64 : i32 to vector<16xi32>
    %mul3A_66 = arith.muli %scan3A_22#13, %mul3A_65 : vector<16xi32>
    %add3A_67 = arith.constant 32 : i32
    %add3A_68 = vector.broadcast %add3A_67 : i32 to vector<16xi32>
    %add3A_69 = arith.addi %mul3A_66, %add3A_68 : vector<16xi32>
    %add3A_70 = arith.addi %add3A_69, %iota3A : vector<16xi32>
    %mul3A_71 = arith.constant 64 : i32
    %mul3A_72 = vector.broadcast %mul3A_71 : i32 to vector<16xi32>
    %mul3A_73 = arith.muli %scan3A_22#15, %mul3A_72 : vector<16xi32>
    %add3A_74 = arith.constant 48 : i32
    %add3A_75 = vector.broadcast %add3A_74 : i32 to vector<16xi32>
    %add3A_76 = arith.addi %mul3A_73, %add3A_75 : vector<16xi32>
    %add3A_77 = arith.addi %add3A_76, %iota3A : vector<16xi32>
    %gt3A = arith.cmpf ogt, %scan3A_22#8, %scan3A_22#0 : vector<16xf32>
    %eq3A = arith.cmpf oeq, %scan3A_22#8, %scan3A_22#0 : vector<16xf32>
    %lt3A = arith.cmpi slt, %add3A_56, %add3A_28 : vector<16xi32>
    %and3A = arith.andi %eq3A, %lt3A : vector<16xi1>
    %or3A = arith.ori %gt3A, %and3A : vector<16xi1>
    %select_n3A = arith.select %or3A, %scan3A_22#8, %scan3A_22#0 : vector<16xi1>, vector<16xf32>
    %select_n3A_78 = arith.select %or3A, %add3A_56, %add3A_28 : vector<16xi1>, vector<16xi32>
    %gt3A_79 = arith.cmpf ogt, %scan3A_22#10, %scan3A_22#2 : vector<16xf32>
    %eq3A_80 = arith.cmpf oeq, %scan3A_22#10, %scan3A_22#2 : vector<16xf32>
    %lt3A_81 = arith.cmpi slt, %add3A_63, %add3A_35 : vector<16xi32>
    %and3A_82 = arith.andi %eq3A_80, %lt3A_81 : vector<16xi1>
    %or3A_83 = arith.ori %gt3A_79, %and3A_82 : vector<16xi1>
    %select_n3A_84 = arith.select %or3A_83, %scan3A_22#10, %scan3A_22#2 : vector<16xi1>, vector<16xf32>
    %select_n3A_85 = arith.select %or3A_83, %add3A_63, %add3A_35 : vector<16xi1>, vector<16xi32>
    %gt3A_86 = arith.cmpf ogt, %scan3A_22#12, %scan3A_22#4 : vector<16xf32>
    %eq3A_87 = arith.cmpf oeq, %scan3A_22#12, %scan3A_22#4 : vector<16xf32>
    %lt3A_88 = arith.cmpi slt, %add3A_70, %add3A_42 : vector<16xi32>
    %and3A_89 = arith.andi %eq3A_87, %lt3A_88 : vector<16xi1>
    %or3A_90 = arith.ori %gt3A_86, %and3A_89 : vector<16xi1>
    %select_n3A_91 = arith.select %or3A_90, %scan3A_22#12, %scan3A_22#4 : vector<16xi1>, vector<16xf32>
    %select_n3A_92 = arith.select %or3A_90, %add3A_70, %add3A_42 : vector<16xi1>, vector<16xi32>
    %gt3A_93 = arith.cmpf ogt, %scan3A_22#14, %scan3A_22#6 : vector<16xf32>
    %eq3A_94 = arith.cmpf oeq, %scan3A_22#14, %scan3A_22#6 : vector<16xf32>
    %lt3A_95 = arith.cmpi slt, %add3A_77, %add3A_49 : vector<16xi32>
    %and3A_96 = arith.andi %eq3A_94, %lt3A_95 : vector<16xi1>
    %or3A_97 = arith.ori %gt3A_93, %and3A_96 : vector<16xi1>
    %select_n3A_98 = arith.select %or3A_97, %scan3A_22#14, %scan3A_22#6 : vector<16xi1>, vector<16xf32>
    %select_n3A_99 = arith.select %or3A_97, %add3A_77, %add3A_49 : vector<16xi1>, vector<16xi32>
    %gt3A_100 = arith.cmpf ogt, %select_n3A_91, %select_n3A : vector<16xf32>
    %eq3A_101 = arith.cmpf oeq, %select_n3A_91, %select_n3A : vector<16xf32>
    %lt3A_102 = arith.cmpi slt, %select_n3A_92, %select_n3A_78 : vector<16xi32>
    %and3A_103 = arith.andi %eq3A_101, %lt3A_102 : vector<16xi1>
    %or3A_104 = arith.ori %gt3A_100, %and3A_103 : vector<16xi1>
    %select_n3A_105 = arith.select %or3A_104, %select_n3A_91, %select_n3A : vector<16xi1>, vector<16xf32>
    %select_n3A_106 = arith.select %or3A_104, %select_n3A_92, %select_n3A_78 : vector<16xi1>, vector<16xi32>
    %gt3A_107 = arith.cmpf ogt, %select_n3A_98, %select_n3A_84 : vector<16xf32>
    %eq3A_108 = arith.cmpf oeq, %select_n3A_98, %select_n3A_84 : vector<16xf32>
    %lt3A_109 = arith.cmpi slt, %select_n3A_99, %select_n3A_85 : vector<16xi32>
    %and3A_110 = arith.andi %eq3A_108, %lt3A_109 : vector<16xi1>
    %or3A_111 = arith.ori %gt3A_107, %and3A_110 : vector<16xi1>
    %select_n3A_112 = arith.select %or3A_111, %select_n3A_98, %select_n3A_84 : vector<16xi1>, vector<16xf32>
    %select_n3A_113 = arith.select %or3A_111, %select_n3A_99, %select_n3A_85 : vector<16xi1>, vector<16xi32>
    %gt3A_114 = arith.cmpf ogt, %select_n3A_112, %select_n3A_105 : vector<16xf32>
    %eq3A_115 = arith.cmpf oeq, %select_n3A_112, %select_n3A_105 : vector<16xf32>
    %lt3A_116 = arith.cmpi slt, %select_n3A_113, %select_n3A_106 : vector<16xi32>
    %and3A_117 = arith.andi %eq3A_115, %lt3A_116 : vector<16xi1>
    %or3A_118 = arith.ori %gt3A_114, %and3A_117 : vector<16xi1>
    %select_n3A_119 = arith.select %or3A_118, %select_n3A_112, %select_n3A_105 : vector<16xi1>, vector<16xf32>
    %select_n3A_120 = arith.select %or3A_118, %select_n3A_113, %select_n3A_106 : vector<16xi1>, vector<16xi32>
    %reduce_max3A = arith.constant true
    %reduce_max3A_121 = vector.broadcast %reduce_max3A : i1 to vector<16xi1>
    %reduce_max3A_122 = tpu.scan <max>, %select_n3A_119 masked %reduce_max3A_121 : vector<16xf32>, vector<16xi1> -> vector<16xf32>
    %reduce_max3A_123 = vector.extract %reduce_max3A_122[15] : f32 from vector<16xf32>
    %eq3A_124 = vector.broadcast %reduce_max3A_123 : f32 to vector<16xf32>
    %eq3A_125 = arith.cmpf oeq, %select_n3A_119, %eq3A_124 : vector<16xf32>
    %jit3A = arith.constant 4096 : i32
    %broadcast_in_dim3A_126 = vector.broadcast %jit3A : i32 to vector<16xi32>
    %select_n3A_127 = arith.select %eq3A_125, %select_n3A_120, %broadcast_in_dim3A_126 : vector<16xi1>, vector<16xi32>
    %reduce_min3A = arith.constant true
    %reduce_min3A_128 = vector.broadcast %reduce_min3A : i1 to vector<16xi1>
    %reduce_min3A_129 = arith.constant -2147483648 : i32
    %reduce_min3A_130 = vector.broadcast %reduce_min3A_129 : i32 to vector<16xi32>
    %reduce_min3A_131 = arith.xori %select_n3A_127, %reduce_min3A_130 : vector<16xi32>
    %reduce_min3A_132 = tpu.scan <min>, %reduce_min3A_131 masked %reduce_min3A_128 : vector<16xi32>, vector<16xi1> -> vector<16xi32>
    %reduce_min3A_133 = arith.xori %reduce_min3A_132, %reduce_min3A_130 : vector<16xi32>
    %reduce_min3A_134 = vector.extract %reduce_min3A_133[15] : i32 from vector<16xi32>
    %gt3A_135 = arith.constant 0.000000e+00 : f32
    %gt3A_136 = arith.cmpf ogt, %reduce_max3A_123, %gt3A_135 : f32
    %and3A_137 = arith.constant 63 : i32
    %and3A_138 = arith.andi %reduce_min3A_134, %and3A_137 : i32
    %jit3A_139 = arith.constant -1 : i32
    %select_n3A_140 = arith.select %gt3A_136, %and3A_138, %jit3A_139 : i32
    %shift_right_arithmetic3A = arith.constant 6 : i32
    %shift_right_arithmetic3A_141 = arith.shrsi %reduce_min3A_134, %shift_right_arithmetic3A : i32
    %jit3A_142 = arith.constant -1 : i32
    %select_n3A_143 = arith.select %gt3A_136, %shift_right_arithmetic3A_141, %jit3A_142 : i32
    %convert_element_type3A = arith.sitofp %select_n3A_140 : i32 to f32
    %convert_element_type3A_144 = arith.sitofp %select_n3A_143 : i32 to f32
    %gt3A_145 = arith.constant 1 : i32
    %gt3A_146 = arith.cmpi sgt, %select_n3A_140, %gt3A_145 : i32
    %lt3A_147 = arith.constant 63 : i32
    %lt3A_148 = arith.cmpi slt, %select_n3A_140, %lt3A_147 : i32
    %and3A_149 = arith.andi %gt3A_146, %lt3A_148 : i1
    %gt3A_150 = arith.constant 1 : i32
    %gt3A_151 = arith.cmpi sgt, %select_n3A_143, %gt3A_150 : i32
    %and3A_152 = arith.andi %and3A_149, %gt3A_151 : i1
    %lt3A_153 = arith.constant 63 : i32
    %lt3A_154 = arith.cmpi slt, %select_n3A_143, %lt3A_153 : i32
    %and3A_155 = arith.andi %and3A_152, %lt3A_154 : i1
    %jit3A_156 = arith.constant 1 : i32
    %jit3A_157 = arith.constant 62 : i32
    %max3A = arith.maxsi %jit3A_156, %select_n3A_140 : i32
    %min3A = arith.minsi %jit3A_157, %max3A : i32
    %jit3A_158 = arith.constant 1 : i32
    %jit3A_159 = arith.constant 62 : i32
    %max3A_160 = arith.maxsi %jit3A_158, %select_n3A_143 : i32
    %min3A_161 = arith.minsi %jit3A_159, %max3A_160 : i32
    %eq3A_162 = arith.constant 2 : i32
    %eq3A_163 = vector.broadcast %eq3A_162 : i32 to vector<16xi32>
    %eq3A_164 = arith.cmpi eq, %iota3A, %eq3A_163 : vector<16xi32>
    %eq3A_165 = arith.constant 3 : i32
    %eq3A_166 = vector.broadcast %eq3A_165 : i32 to vector<16xi32>
    %eq3A_167 = arith.cmpi eq, %iota3A, %eq3A_166 : vector<16xi32>
    %jit3A_168 = arith.constant -1 : i32
    %jit3A_169 = arith.constant 0 : i32
    %broadcast_in_dim3A_170 = vector.broadcast %jit3A_168 : i32 to vector<16xi32>
    %broadcast_in_dim3A_171 = vector.broadcast %jit3A_169 : i32 to vector<16xi32>
    %select_n3A_172 = arith.select %eq3A_167, %broadcast_in_dim3A_170, %broadcast_in_dim3A_171 : vector<16xi1>, vector<16xi32>
    %jit3A_173 = arith.constant 1 : i32
    %broadcast_in_dim3A_174 = vector.broadcast %jit3A_173 : i32 to vector<16xi32>
    %select_n3A_175 = arith.select %eq3A_164, %broadcast_in_dim3A_174, %select_n3A_172 : vector<16xi1>, vector<16xi32>
    %add3A_176 = vector.broadcast %min3A_161 : i32 to vector<16xi32>
    %add3A_177 = arith.addi %add3A_176, %select_n3A_175 : vector<16xi32>
    %eq3A_178 = arith.constant 0 : i32
    %eq3A_179 = vector.broadcast %eq3A_178 : i32 to vector<16xi32>
    %eq3A_180 = arith.cmpi eq, %iota3A, %eq3A_179 : vector<16xi32>
    %eq3A_181 = arith.constant 1 : i32
    %eq3A_182 = vector.broadcast %eq3A_181 : i32 to vector<16xi32>
    %eq3A_183 = arith.cmpi eq, %iota3A, %eq3A_182 : vector<16xi32>
    %jit3A_184 = arith.constant -1 : i32
    %jit3A_185 = arith.constant 0 : i32
    %broadcast_in_dim3A_186 = vector.broadcast %jit3A_184 : i32 to vector<16xi32>
    %broadcast_in_dim3A_187 = vector.broadcast %jit3A_185 : i32 to vector<16xi32>
    %select_n3A_188 = arith.select %eq3A_183, %broadcast_in_dim3A_186, %broadcast_in_dim3A_187 : vector<16xi1>, vector<16xi32>
    %jit3A_189 = arith.constant 1 : i32
    %broadcast_in_dim3A_190 = vector.broadcast %jit3A_189 : i32 to vector<16xi32>
    %select_n3A_191 = arith.select %eq3A_180, %broadcast_in_dim3A_190, %select_n3A_188 : vector<16xi1>, vector<16xi32>
    %add3A_192 = vector.broadcast %min3A : i32 to vector<16xi32>
    %add3A_193 = arith.addi %add3A_192, %select_n3A_191 : vector<16xi32>
    %gather3A = tpu.vector_load_idx %arg7[%add3A_177, %add3A_193] : memref<64x64xf32, #tpu.memory_space<vmem>>[vector<16xi32>, vector<16xi32>], vector<16xf32>,
    %broadcast_in_dim3A_194 = arith.constant 0.000000e+00 : f32
    %broadcast_in_dim3A_195 = vector.broadcast %broadcast_in_dim3A_194 : f32 to vector<16xf32>
    %eq3A_196 = arith.constant 0 : i32
    %eq3A_197 = vector.broadcast %eq3A_196 : i32 to vector<16xi32>
    %eq3A_198 = arith.cmpi eq, %iota3A, %eq3A_197 : vector<16xi32>
    %eq3A_199 = arith.constant 1 : i32
    %eq3A_200 = vector.broadcast %eq3A_199 : i32 to vector<16xi32>
    %eq3A_201 = arith.cmpi eq, %iota3A, %eq3A_200 : vector<16xi32>
    %neg3A = arith.constant 0.000000e+00 : f32
    %neg3A_202 = vector.broadcast %neg3A : f32 to vector<16xf32>
    %neg3A_203 = arith.subf %neg3A_202, %gather3A : vector<16xf32>
    %select_n3A_204 = arith.select %eq3A_201, %neg3A_203, %broadcast_in_dim3A_195 : vector<16xi1>, vector<16xf32>
    %select_n3A_205 = arith.select %eq3A_198, %gather3A, %select_n3A_204 : vector<16xi1>, vector<16xf32>
    %reduce_sum3A = arith.constant true
    %reduce_sum3A_206 = vector.broadcast %reduce_sum3A : i1 to vector<16xi1>
    %reduce_sum3A_207 = tpu.scan <sum>, %select_n3A_205 masked %reduce_sum3A_206 : vector<16xf32>, vector<16xi1> -> vector<16xf32>
    %reduce_sum3A_208 = vector.extract %reduce_sum3A_207[15] : f32 from vector<16xf32>
    %eq3A_209 = arith.constant 2 : i32
    %eq3A_210 = vector.broadcast %eq3A_209 : i32 to vector<16xi32>
    %eq3A_211 = arith.cmpi eq, %iota3A, %eq3A_210 : vector<16xi32>
    %eq3A_212 = arith.constant 3 : i32
    %eq3A_213 = vector.broadcast %eq3A_212 : i32 to vector<16xi32>
    %eq3A_214 = arith.cmpi eq, %iota3A, %eq3A_213 : vector<16xi32>
    %neg3A_215 = arith.constant 0.000000e+00 : f32
    %neg3A_216 = vector.broadcast %neg3A_215 : f32 to vector<16xf32>
    %neg3A_217 = arith.subf %neg3A_216, %gather3A : vector<16xf32>
    %select_n3A_218 = arith.select %eq3A_214, %neg3A_217, %broadcast_in_dim3A_195 : vector<16xi1>, vector<16xf32>
    %select_n3A_219 = arith.select %eq3A_211, %gather3A, %select_n3A_218 : vector<16xi1>, vector<16xf32>
    %reduce_sum3A_220 = arith.constant true
    %reduce_sum3A_221 = vector.broadcast %reduce_sum3A_220 : i1 to vector<16xi1>
    %reduce_sum3A_222 = tpu.scan <sum>, %select_n3A_219 masked %reduce_sum3A_221 : vector<16xf32>, vector<16xi1> -> vector<16xf32>
    %reduce_sum3A_223 = vector.extract %reduce_sum3A_222[15] : f32 from vector<16xf32>
    %sign3A = arith.bitcast %reduce_sum3A_208 : f32 to i32
    %sign3A_224 = arith.constant -2147483648 : i32
    %sign3A_225 = arith.andi %sign3A, %sign3A_224 : i32
    %sign3A_226 = arith.constant 1065353216 : i32
    %sign3A_227 = arith.ori %sign3A_226, %sign3A_225 : i32
    %sign3A_228 = arith.bitcast %sign3A_227 : i32 to f32
    %sign3A_229 = math.absf %reduce_sum3A_208 : f32
    %sign3A_230 = arith.constant 0.000000e+00 : f32
    %sign3A_231 = arith.cmpf ogt, %sign3A_229, %sign3A_230 : f32
    %sign3A_232 = arith.select %sign3A_231, %sign3A_228, %reduce_sum3A_208 : f32
    %mul3A_233 = arith.constant 2.500000e-01 : f32
    %mul3A_234 = arith.mulf %sign3A_232, %mul3A_233 : f32
    %jit3A_235 = arith.constant 0.000000e+00 : f32
    %select_n3A_236 = arith.select %and3A_155, %mul3A_234, %jit3A_235 : f32
    %add3A_237 = arith.addf %convert_element_type3A, %select_n3A_236 : f32
    %sign3A_238 = arith.bitcast %reduce_sum3A_223 : f32 to i32
    %sign3A_239 = arith.constant -2147483648 : i32
    %sign3A_240 = arith.andi %sign3A_238, %sign3A_239 : i32
    %sign3A_241 = arith.constant 1065353216 : i32
    %sign3A_242 = arith.ori %sign3A_241, %sign3A_240 : i32
    %sign3A_243 = arith.bitcast %sign3A_242 : i32 to f32
    %sign3A_244 = math.absf %reduce_sum3A_223 : f32
    %sign3A_245 = arith.constant 0.000000e+00 : f32
    %sign3A_246 = arith.cmpf ogt, %sign3A_244, %sign3A_245 : f32
    %sign3A_247 = arith.select %sign3A_246, %sign3A_243, %reduce_sum3A_223 : f32
    %mul3A_248 = arith.constant 2.500000e-01 : f32
    %mul3A_249 = arith.mulf %sign3A_247, %mul3A_248 : f32
    %jit3A_250 = arith.constant 0.000000e+00 : f32
    %select_n3A_251 = arith.select %and3A_155, %mul3A_249, %jit3A_250 : f32
    %add3A_252 = arith.addf %convert_element_type3A_144, %select_n3A_251 : f32
    tpu.wait_dma2 semaphore(%arg15 : memref<!tpu.dma_semaphore, #tpu.memory_space<semaphore_mem>>) src(%arg3 : memref<1x2xf32, #tpu.memory_space<hbm>>) dst(%arg8 : memref<1x2xf32, #tpu.memory_space<vmem>>)
    tpu.wait_dma2 semaphore(%arg16 : memref<!tpu.dma_semaphore, #tpu.memory_space<semaphore_mem>>) src(%arg4 : memref<1x2xf32, #tpu.memory_space<hbm>>) dst(%arg9 : memref<1x2xf32, #tpu.memory_space<vmem>>)
    %broadcast_in_dim3A_253 = arith.constant 0 : i32
    %broadcast_in_dim3A_254 = vector.broadcast %broadcast_in_dim3A_253 : i32 to vector<16xi32>
    %min3A_255 = arith.constant 1 : i32
    %min3A_256 = vector.broadcast %min3A_255 : i32 to vector<16xi32>
    %min3A_257 = arith.minsi %iota3A, %min3A_256 : vector<16xi32>
    %gather3A_258 = tpu.vector_load_idx %arg8[%broadcast_in_dim3A_254, %min3A_257] : memref<1x2xf32, #tpu.memory_space<vmem>>[vector<16xi32>, vector<16xi32>], vector<16xf32>,
    %gather3A_259 = tpu.vector_load_idx %arg9[%broadcast_in_dim3A_254, %min3A_257] : memref<1x2xf32, #tpu.memory_space<vmem>>[vector<16xi32>, vector<16xi32>], vector<16xf32>,
    %slice3A = vector.extract_strided_slice %gather3A_258 {offsets = [0], sizes = [1], strides = [1]} : vector<16xf32> to vector<1xf32>
    %squeeze3A = vector.extract %slice3A[0] : f32 from vector<1xf32>
    %slice3A_260 = vector.extract_strided_slice %gather3A_258 {offsets = [1], sizes = [1], strides = [1]} : vector<16xf32> to vector<1xf32>
    %squeeze3A_261 = vector.extract %slice3A_260[0] : f32 from vector<1xf32>
    %slice3A_262 = vector.extract_strided_slice %gather3A_259 {offsets = [0], sizes = [1], strides = [1]} : vector<16xf32> to vector<1xf32>
    %squeeze3A_263 = vector.extract %slice3A_262[0] : f32 from vector<1xf32>
    %mul3A_264 = arith.constant 2.000000e+02 : f32
    %mul3A_265 = arith.mulf %squeeze3A_263, %mul3A_264 : f32
    %slice3A_266 = vector.extract_strided_slice %gather3A_259 {offsets = [1], sizes = [1], strides = [1]} : vector<16xf32> to vector<1xf32>
    %squeeze3A_267 = vector.extract %slice3A_266[0] : f32 from vector<1xf32>
    %mul3A_268 = arith.constant 2.000000e+02 : f32
    %mul3A_269 = arith.mulf %squeeze3A_267, %mul3A_268 : f32
    %mul3A_270 = arith.constant 1.562500e-02 : f32
    %mul3A_271 = arith.mulf %mul3A_265, %mul3A_270 : f32
    %mul3A_272 = arith.mulf %add3A_237, %mul3A_271 : f32
    %add3A_273 = arith.addf %mul3A_272, %squeeze3A : f32
    %mul3A_274 = arith.constant 5.000000e-01 : f32
    %mul3A_275 = arith.mulf %mul3A_265, %mul3A_274 : f32
    %sub3A = arith.subf %add3A_273, %mul3A_275 : f32
    %mul3A_276 = arith.constant 1.562500e-02 : f32
    %mul3A_277 = arith.mulf %mul3A_269, %mul3A_276 : f32
    %mul3A_278 = arith.mulf %add3A_252, %mul3A_277 : f32
    %add3A_279 = arith.addf %mul3A_278, %squeeze3A_261 : f32
    %mul3A_280 = arith.constant 5.000000e-01 : f32
    %mul3A_281 = arith.mulf %mul3A_269, %mul3A_280 : f32
    %sub3A_282 = arith.subf %add3A_279, %mul3A_281 : f32
    %eq3A_283 = arith.constant 0 : i32
    %eq3A_284 = vector.broadcast %eq3A_283 : i32 to vector<16xi32>
    %eq3A_285 = arith.cmpi eq, %iota3A, %eq3A_284 : vector<16xi32>
    %eq3A_286 = arith.constant 1 : i32
    %eq3A_287 = vector.broadcast %eq3A_286 : i32 to vector<16xi32>
    %eq3A_288 = arith.cmpi eq, %iota3A, %eq3A_287 : vector<16xi32>
    %eq3A_289 = arith.constant 2 : i32
    %eq3A_290 = vector.broadcast %eq3A_289 : i32 to vector<16xi32>
    %eq3A_291 = arith.cmpi eq, %iota3A, %eq3A_290 : vector<16xi32>
    %broadcast_in_dim3A_292 = vector.broadcast %reduce_max3A_123 : f32 to vector<16xf32>
    %select_n3A_293 = arith.select %eq3A_291, %broadcast_in_dim3A_292, %broadcast_in_dim3A_195 : vector<16xi1>, vector<16xf32>
    %broadcast_in_dim3A_294 = vector.broadcast %sub3A_282 : f32 to vector<16xf32>
    %select_n3A_295 = arith.select %eq3A_288, %broadcast_in_dim3A_294, %select_n3A_293 : vector<16xi1>, vector<16xf32>
    %broadcast_in_dim3A_296 = vector.broadcast %sub3A : f32 to vector<16xf32>
    %select_n3A_297 = arith.select %eq3A_285, %broadcast_in_dim3A_296, %select_n3A_295 : vector<16xi1>, vector<16xf32>
    %swap3A = arith.constant 0 : index
    %swap3A_298 = tpu.vector_load %arg10[%swap3A] {strides = array<i32>} : memref<16xf32, #tpu.memory_space<vmem>>, vector<16xf32>,
    tpu.vector_store %arg10[%swap3A], %select_n3A_297 {strides = array<i32>} : memref<16xf32, #tpu.memory_space<vmem>>, vector<16xf32>,
    %mul3A_299 = arith.constant 16 : i32
    %mul3A_300 = arith.muli %arg1, %mul3A_299 : i32
    "tpu.region"() ({
      %run_scoped3A = tpu.sem_alloc : memref<!tpu.dma_semaphore, #tpu.memory_space<semaphore_mem>>
      %dma_start3A_310 = tpu.memref_slice %arg13[%mul3A_300] : memref<256xf32, #tpu.memory_space<vmem_shared>> -> memref<16xf32, #tpu.memory_space<vmem_shared>>
      %dma_start3A_311 = tpu.memref_slice %arg13[%mul3A_300] : memref<256xf32, #tpu.memory_space<vmem_shared>> -> memref<16xf32, #tpu.memory_space<vmem_shared>>
      tpu.enqueue_dma source(%arg10 : memref<16xf32, #tpu.memory_space<vmem>>) target(%dma_start3A_311 : memref<16xf32, #tpu.memory_space<vmem_shared>>) target_semaphore(%run_scoped3A : memref<!tpu.dma_semaphore, #tpu.memory_space<semaphore_mem>>)
      %dma_wait3A_312 = tpu.memref_slice %arg13[%mul3A_300] : memref<256xf32, #tpu.memory_space<vmem_shared>> -> memref<16xf32, #tpu.memory_space<vmem_shared>>
      %dma_wait3A_313 = tpu.memref_slice %arg13[%mul3A_300] : memref<256xf32, #tpu.memory_space<vmem_shared>> -> memref<16xf32, #tpu.memory_space<vmem_shared>>
      tpu.wait_dma2 semaphore(%run_scoped3A : memref<!tpu.dma_semaphore, #tpu.memory_space<semaphore_mem>>) src(%arg10 : memref<16xf32, #tpu.memory_space<vmem>>) dst(%dma_wait3A_313 : memref<16xf32, #tpu.memory_space<vmem_shared>>)
      tpu.yield
    }) : () -> ()
    %barrier3A = arith.constant 0 : index
    tpu.barrier barrier_id(%barrier3A)
    %eq3A_301 = arith.constant 0 : i32
    %eq3A_302 = arith.cmpi eq, %arg1, %eq3A_301 : i32
    %convert_element_type3A_303 = arith.extui %eq3A_302 : i1 to i32
    %cond3A = arith.constant 0 : i32
    %cond3A_304 = arith.cmpi ne, %convert_element_type3A_303, %cond3A : i32
    scf.if %cond3A_304 {
      "tpu.region"() ({
        %run_scoped3A = tpu.sem_alloc : memref<!tpu.dma_semaphore, #tpu.memory_space<semaphore_mem>>
        tpu.enqueue_dma source(%arg13 : memref<256xf32, #tpu.memory_space<vmem_shared>>) target(%arg11 : memref<256xf32, #tpu.memory_space<vmem>>) target_semaphore(%run_scoped3A : memref<!tpu.dma_semaphore, #tpu.memory_space<semaphore_mem>>)
        tpu.wait_dma2 semaphore(%run_scoped3A : memref<!tpu.dma_semaphore, #tpu.memory_space<semaphore_mem>>) src(%arg13 : memref<256xf32, #tpu.memory_space<vmem_shared>>) dst(%arg11 : memref<256xf32, #tpu.memory_space<vmem>>)
        tpu.yield
      }) : () -> ()
      %shift_right_arithmetic3A_310 = arith.constant 1 : i32
      %shift_right_arithmetic3A_311 = vector.broadcast %shift_right_arithmetic3A_310 : i32 to vector<16xi32>
      %shift_right_arithmetic3A_312 = arith.shrsi %iota3A, %shift_right_arithmetic3A_311 : vector<16xi32>
      %mul3A_313 = arith.constant 16 : i32
      %mul3A_314 = vector.broadcast %mul3A_313 : i32 to vector<16xi32>
      %mul3A_315 = arith.muli %shift_right_arithmetic3A_312, %mul3A_314 : vector<16xi32>
      %and3A_316 = arith.constant 1 : i32
      %and3A_317 = vector.broadcast %and3A_316 : i32 to vector<16xi32>
      %and3A_318 = arith.andi %iota3A, %and3A_317 : vector<16xi32>
      %add3A_319 = arith.addi %mul3A_315, %and3A_318 : vector<16xi32>
      %gather3A_320 = tpu.vector_load_idx %arg11[%add3A_319] : memref<256xf32, #tpu.memory_space<vmem>>[vector<16xi32>], vector<16xf32>,
      %add3A_321 = arith.constant 128 : i32
      %add3A_322 = vector.broadcast %add3A_321 : i32 to vector<16xi32>
      %add3A_323 = arith.addi %add3A_319, %add3A_322 : vector<16xi32>
      %gather3A_324 = tpu.vector_load_idx %arg11[%add3A_323] : memref<256xf32, #tpu.memory_space<vmem>>[vector<16xi32>], vector<16xf32>,
      %swap3A_325 = arith.constant 0 : index
      %swap3A_326 = tpu.vector_load %arg12[%swap3A_325] {strides = array<i32>} : memref<32xf32, #tpu.memory_space<vmem>>, vector<16xf32>,
      tpu.vector_store %arg12[%swap3A_325], %gather3A_320 {strides = array<i32>} : memref<32xf32, #tpu.memory_space<vmem>>, vector<16xf32>,
      %swap3A_327 = arith.constant 16 : index
      %swap3A_328 = tpu.vector_load %arg12[%swap3A_327] {strides = array<i32>} : memref<32xf32, #tpu.memory_space<vmem>>, vector<16xf32>,
      tpu.vector_store %arg12[%swap3A_327], %gather3A_324 {strides = array<i32>} : memref<32xf32, #tpu.memory_space<vmem>>, vector<16xf32>,
      "tpu.region"() ({
        %run_scoped3A = tpu.sem_alloc : memref<!tpu.dma_semaphore, #tpu.memory_space<semaphore_mem>>
        tpu.enqueue_dma source(%arg12 : memref<32xf32, #tpu.memory_space<vmem>>) target(%arg5 : memref<32xf32, #tpu.memory_space<hbm>>) target_semaphore(%run_scoped3A : memref<!tpu.dma_semaphore, #tpu.memory_space<semaphore_mem>>)
        tpu.wait_dma2 semaphore(%run_scoped3A : memref<!tpu.dma_semaphore, #tpu.memory_space<semaphore_mem>>) src(%arg12 : memref<32xf32, #tpu.memory_space<vmem>>) dst(%arg5 : memref<32xf32, #tpu.memory_space<hbm>>)
        tpu.yield
      }) : () -> ()
    } else {
    }
    %eq3A_305 = arith.constant 1 : i32
    %eq3A_306 = arith.cmpi eq, %arg1, %eq3A_305 : i32
    %convert_element_type3A_307 = arith.extui %eq3A_306 : i1 to i32
    %cond3A_308 = arith.constant 0 : i32
    %cond3A_309 = arith.cmpi ne, %convert_element_type3A_307, %cond3A_308 : i32
    scf.if %cond3A_309 {
      "tpu.region"() ({
        %run_scoped3A = tpu.sem_alloc : memref<!tpu.dma_semaphore, #tpu.memory_space<semaphore_mem>>
        tpu.enqueue_dma source(%arg13 : memref<256xf32, #tpu.memory_space<vmem_shared>>) target(%arg11 : memref<256xf32, #tpu.memory_space<vmem>>) target_semaphore(%run_scoped3A : memref<!tpu.dma_semaphore, #tpu.memory_space<semaphore_mem>>)
        tpu.wait_dma2 semaphore(%run_scoped3A : memref<!tpu.dma_semaphore, #tpu.memory_space<semaphore_mem>>) src(%arg13 : memref<256xf32, #tpu.memory_space<vmem_shared>>) dst(%arg11 : memref<256xf32, #tpu.memory_space<vmem>>)
        tpu.yield
      }) : () -> ()
      %mul3A_310 = arith.constant 16 : i32
      %mul3A_311 = vector.broadcast %mul3A_310 : i32 to vector<16xi32>
      %mul3A_312 = arith.muli %iota3A, %mul3A_311 : vector<16xi32>
      %add3A_313 = arith.constant 2 : i32
      %add3A_314 = vector.broadcast %add3A_313 : i32 to vector<16xi32>
      %add3A_315 = arith.addi %mul3A_312, %add3A_314 : vector<16xi32>
      %gather3A_316 = tpu.vector_load_idx %arg11[%add3A_315] : memref<256xf32, #tpu.memory_space<vmem>>[vector<16xi32>], vector<16xf32>,
      %swap3A_317 = arith.constant 0 : index
      %swap3A_318 = tpu.vector_load %arg10[%swap3A_317] {strides = array<i32>} : memref<16xf32, #tpu.memory_space<vmem>>, vector<16xf32>,
      tpu.vector_store %arg10[%swap3A_317], %gather3A_316 {strides = array<i32>} : memref<16xf32, #tpu.memory_space<vmem>>, vector<16xf32>,
      "tpu.region"() ({
        %run_scoped3A = tpu.sem_alloc : memref<!tpu.dma_semaphore, #tpu.memory_space<semaphore_mem>>
        tpu.enqueue_dma source(%arg10 : memref<16xf32, #tpu.memory_space<vmem>>) target(%arg6 : memref<16xf32, #tpu.memory_space<hbm>>) target_semaphore(%run_scoped3A : memref<!tpu.dma_semaphore, #tpu.memory_space<semaphore_mem>>)
        tpu.wait_dma2 semaphore(%run_scoped3A : memref<!tpu.dma_semaphore, #tpu.memory_space<semaphore_mem>>) src(%arg10 : memref<16xf32, #tpu.memory_space<vmem>>) dst(%arg6 : memref<16xf32, #tpu.memory_space<hbm>>)
        tpu.yield
      }) : () -> ()
    } else {
    }
    return
  }
}

</mosaic_0001>

<sc_bundles>
// kernel: kernel.3.cloned.1.call-start
scs
__scs_entry_jumppad:
0x0: {  	(pc) =	sbr.rel $0x88, $3  }
0x1: {  	(tag) =	ssettag $0x0;
	lr =	simm.s32 $0x1  }
0x2: {  	[smem:$0x3F9E] =	sst lr;
	_ =	strace $0xD0000000  }
0x3: {  	_ = 	snop  }
0x4: {  	_ = 	snop  }
0x5: {  	_ = 	snop  }
0x6: {  	_ = 	snop  }
0x7: {  	_ = 	snop  }
__scs_overlays_trampoline_lowered:
0x8: {  	[smem:$0x3FAD] =	sst s0  }
0x9: {  	[smem:$0x3FAE] =	sst s1  }
0xa: {  	[smem:$0x3FAF] =	sst s2  }
0xb: {  	[smem:$0x3FB0] =	sst s3  }
0xc: {  	[smem:$0x3FB1] =	sst s4  }
0xd: {  	[smem:$0x3FB2] =	sst s5  }
0xe: {  	[smem:$0x3FB3] =	sst s6  }
0xf: {  	[smem:$0x3FB4] =	sst s7  }
0x10: {  	[smem:$0x3FB5] =	sst s8  }
0x11: {  	[smem:$0x3FB6] =	sst s9;
	s0 =	simm.s32 @!p0 $0x0  }
0x12: {  	s1 =	sld [smem:$0x3F9C];
	s0 =	simm.s32 @p0 $0x1  }
0x13: {  	[smem:$0x3FB7] =	sst s0;
	s0 =	simm.s32 @!p1 $0x0  }
0x14: {  	s2 =	sld [smem:$0x3F9B];
	s0 =	simm.s32 @p1 $0x1  }
0x15: {  	[smem:$0x3FB8] =	sst s0;
	s0 =	simm.s32 @!p2 $0x0  }
0x16: {  	s3 =	sld [smem:$0x3FDB];
	s0 =	simm.s32 @p2 $0x1  }
0x17: {  	s4 =	simm.s32 $0x1BF5;
	[smem:$0x3FBA] =	sst s0  }
0x18: {  	s0 =	sld [smem:$0x3F9D];
	_ =	swait.ge [sflag:s4], $0x0  }
0x19: {  	s7 =	sld [smem:$0x3F9E]  }
0x1a: {  	s8 =	sadd.s32 $0xFFFFE003, lr  }
0x1b: {  	s9 =	sadd.s32 $0xFFFFFEF7, lr;
	s5 =	simm.s32 $0xFFFFFFFF;
	p2 =	slt.u32 s8, $0xFFFFF086  }
0x1c: {  	p1 =	slt.u32 s9, $0xF7A;
	s5 =	simm.s32 @!p2 $0x0  }
0x1d: {  	s5 =	simm.s32 @p1 $0x1;
	p0 =	seq.s32 s7, s2  }
0x1e: {  	s7 =	smul.u32 @!p0 $0xF7A, s2;
	p2 =	seq.s32 @!p0 s5, $0x0  }
0x1f: {  	s9 =	smul.u32 $0xF7A, s1;
	s8 =	simm.s32 @!p0 $0x1BF5;
	p2 =	por !p2, p0  }
0x20: {  	[sflag:s8] =	ssyncset.s32 @!p0 $0xFFFFF086;
	s6 =	sadd.s32 @!p0 s3, s7;
	s7 =	simm.s32 @!p0 $0x108  }
0x21: {  	s3 =	sadd.s32 s3, s9;
	s6 =	sadd.s32 @!p0 $0x88, s6;
	s7 =	simm.s32 @p2 $0x1082  }
0x22: {  	[simem:s7], [sflag:s8] =	dma.local @!p0 [hbm:s6], $0xF7A  }
0x23: {  	s9 =	sor.u32 $0xD0000000, s2;
	s6 =	simm.s32 $0x108;
	_ =	swait.ge @!p0 [sflag:s8], $0x0  }
0x24: {  	s3 =	sadd.s32 $0x88, s3;
	s6 =	simm.s32 @!p1 $0x1082;
	[sflag:s4] =	ssyncset.s32 $0xFFFFF086  }
0x25: {  	[simem:s6], [sflag:s4] =	dma.local [hbm:s3], $0xF7A  }
0x26: {  	[smem:$0x3F9E] =	sst s1;
	(tag) =	ssettag s2;
	_ =	strace s9  }
0x27: {  	s1 =	sld [smem:$0x3FAE]  }
0x28: {  	s2 =	sld [smem:$0x3FAF]  }
0x29: {  	s4 =	sld [smem:$0x3FB1]  }
0x2a: {  	p0 =	seq.s32 s5, $0x0;
	s5 =	sld [smem:$0x3FB2]  }
0x2b: {  	s6 =	sld [smem:$0x3FB3]  }
0x2c: {  	s7 =	sld [smem:$0x3FB4]  }
0x2d: {  	s3 =	simm.s32 $0x108;
	s8 =	sld [smem:$0x3FB5]  }
0x2e: {  	s3 =	simm.s32 @!p0 $0x1082;
	s9 =	sld [smem:$0x3FB6]  }
0x2f: {  	lr =	sadd.s32 s0, s3;
	s0 =	sld [smem:$0x3FAD]  }
0x30: {  	s3 =	sld [smem:$0x3FB0]  }
0x31: {  	[smem:$0x3FB9] =	sst s10  }
0x32: {  	s10 =	sld [smem:$0x3FB7];
	_ =	sdelay $0x3  }
0x33: {  	p0 =	seq.s32 s10, $0x1;
	s10 =	sld [smem:$0x3FB9];
	_ =	sdelay $0x3  }
0x34: {  	[smem:$0x3FB9] =	sst s10  }
0x35: {  	s10 =	sld [smem:$0x3FB8];
	_ =	sdelay $0x3  }
0x36: {  	p1 =	seq.s32 s10, $0x1;
	s10 =	sld [smem:$0x3FB9];
	_ =	sdelay $0x3  }
0x37: {  	[smem:$0x3FB9] =	sst s10  }
0x38: {  	s10 =	sld [smem:$0x3FBA]  }
0x39: {  	_ = 	snop;
	(pc) =	sbr.ind lr, $3  }
0x3a: {  	_ = 	snop  }
0x3b: {  	_ = 	snop  }
0x3c: {  	p2 =	seq.s32 s10, $0x1;
	s10 =	sld [smem:$0x3FB9]  }
0x3d: {  	_ =	shalt  }
0x3e: {  	_ =	shalt  }
0x3f: {  	_ =	shalt  }
0x40: {  	_ =	shalt  }
0x41: {  	_ =	shalt  }
0x42: {  	_ =	shalt  }
0x43: {  	_ =	shalt  }
0x44: {  	_ =	shalt  }
0x45: {  	_ =	shalt  }
0x46: {  	_ =	shalt  }
0x47: {  	_ =	shalt  }
0x48: {  	_ =	shalt  }
0x49: {  	_ =	shalt  }
0x4a: {  	_ =	shalt  }
0x4b: {  	_ =	shalt  }
0x4c: {  	_ =	shalt  }
0x4d: {  	_ =	shalt  }
0x4e: {  	_ =	shalt  }
0x4f: {  	_ =	shalt  }
0x50: {  	_ =	shalt  }
0x51: {  	_ =	shalt  }
0x52: {  	_ =	shalt  }
0x53: {  	_ =	shalt  }
0x54: {  	_ =	shalt  }
0x55: {  	_ =	shalt  }
0x56: {  	_ =	shalt  }
0x57: {  	_ =	shalt  }
0x58: {  	_ =	shalt  }
0x59: {  	_ =	shalt  }
0x5a: {  	_ =	shalt  }
0x5b: {  	_ =	shalt  }
0x5c: {  	_ =	shalt  }
0x5d: {  	_ =	shalt  }
0x5e: {  	_ =	shalt  }
0x5f: {  	_ =	shalt  }
0x60: {  	_ =	shalt  }
0x61: {  	_ =	shalt  }
0x62: {  	_ =	shalt  }
0x63: {  	_ =	shalt  }
0x64: {  	_ =	shalt  }
0x65: {  	_ =	shalt  }
0x66: {  	_ =	shalt  }
0x67: {  	_ =	shalt  }
0x68: {  	_ =	shalt  }
0x69: {  	_ =	shalt  }
0x6a: {  	_ =	shalt  }
0x6b: {  	_ =	shalt  }
0x6c: {  	_ =	shalt  }
0x6d: {  	_ =	shalt  }
0x6e: {  	_ =	shalt  }
0x6f: {  	_ =	shalt  }
0x70: {  	_ =	shalt  }
0x71: {  	_ =	shalt  }
0x72: {  	_ =	shalt  }
0x73: {  	_ =	shalt  }
0x74: {  	_ =	shalt  }
0x75: {  	_ =	shalt  }
0x76: {  	_ =	shalt  }
0x77: {  	_ =	shalt  }
0x78: {  	_ =	shalt  }
0x79: {  	_ =	shalt  }
0x7a: {  	_ =	shalt  }
0x7b: {  	_ =	shalt  }
0x7c: {  	_ =	shalt  }
0x7d: {  	_ =	shalt  }
0x7e: {  	_ =	shalt  }
0x7f: {  	_ =	shalt  }
0x80: {  	_ =	shalt  }
0x81: {  	_ =	shalt  }
0x82: {  	_ =	shalt  }
0x83: {  	_ =	shalt  }
0x84: {  	_ =	shalt  }
0x85: {  	_ =	shalt  }
0x86: {  	_ =	shalt  }
0x87: {  	_ =	shalt  }
.Lfunc_end0:
.L_simem_size_0:
called_computation_lowered:
.L_overlay_start_0:
0x88: {  	s0 =	sld [smem:$0x3FD9]  }
0x89: {  	s1 =	sld [smem:$0x3FFE];
	_ =	sdelay $0x3  }
0x8a: {  	s0 =	sadd.s32 s1, s0  }
0x8b: {  	[smem:$0x3FC5] =	sst s0  }
0x8c: {  	_ = 	snop  }
0x8d: {  	s0 =	sld [smem:$0x3FD0]  }
0x8e: {  	s14 =	sld [smem:$0x3FC9]  }
0x8f: {  	s2 =	sld [smem:$0x3FC8]  }
0x90: {  	s4 =	simm.s32 $0xA;
	s5 =	simm.s32 $0x10;
	s3 =	sld [smem:$0x3FC7]  }
0x91: {  	[smem:s5], [sflag:s4] =	dma.local [hbm:s0], $0x1  }
0x92: {  	_ =	swait.eq [sflag:s4], $0x1  }
0x93: {  	[sflag:s4] =	ssyncset.done $0x0  }
0x94: {  	s15 =	sld [smem:$0x10];
	[sflag:s4] =	ssyncadd.s32 $0xFFFFFFFF  }
0x95: {  	s16 =	sld [smem:$0x11];
	(tm) =	ssettm $0x1  }
0x96: {  	s17 =	sld [smem:$0x3FFB];
	_ =	sdelay $0x3  }
0x97: {  	_ =	strace s17  }
0x98: {  	s5 =	sld [smem:$0x3FFC];
	_ =	sdelay $0x3  }
0x99: {  	_ =	strace s5  }
0x9a: {  	s5 =	sld [smem:$0x3FFD];
	_ =	sdelay $0x3  }
0x9b: {  	_ =	strace s5  }
0x9c: {  	_ =	strace $0x8FFFFFFF  }
0x9d: {  	s18 =	sld [smem:$0x3FDB];
	_ =	sdelay $0x1  }
0x9e: {  	s6 =	simm.s32 $_scs_section_size  }
0x9f: {  	s7 =	simm.s32 $_size__tile_overlayer_lowered;
	s8 =	simm.s32 $_tile_overlayer_lowered  }
0xa0: {  	s21 =	simm.s32 $0x1BFF;
	s20 =	sshll.u32 s8, $0x1;
	s5 =	sadd.s32 s6, s18  }
0xa1: {  	s9 =	simm.s32 $0x0;
	s19 =	sshll.u32 s7, $0x1;
	s7 =	sadd.s32 s20, s5  }
0xa2: {  	[timem:s9], [sflag:s21] =	dma.local [hbm:s7], s19  }
0xa3: {  	_ =	swait.ge [sflag:s21], s19  }
0xa4: {  	s6 =	ssub.s32 $0x0, s19;
	[sflag:s21] =	ssyncset.done $0x0  }
0xa5: {  	[sflag:s21] =	ssyncadd.s32 s6;
	_ =	sdelay $0x1  }
0xa6: {  	s22 =	simm.s32 $0x1B8B  }
0xa7: {  	_ =	swait.ge [sflag:s22], $0x1  }
0xa8: {  	[sflag:s22] =	ssyncset.done $0x0  }
0xa9: {  	s23 =	simm.s32 $0x1B8E;
	[sflag:s22] =	ssyncadd.s32 $0xFFFFFFFF  }
0xaa: {  	s24 =	simm.s32 $execute0_lowered;
	[smem:$0x3FD2] =	sst s23  }
0xab: {  	s6 =	sshll.u32 s24, $0x1;
	_ =	strace $0x80000046;
	[dreg:$0x1] =	wrdreg $0xFFFFFFFF  }
0xac: {  	s25 =	simm.s32 $_size_execute0_lowered;
	s5 =	sadd.s32 s5, s6;
	[dreg:$0x0] =	wrdreg $0x0  }
0xad: {  	s6 =	sshll.u32 s25, $0x1;
	[dreg:$0x2] =	wrdreg s5  }
0xae: {  	[dreg:$0x3] =	wrdreg s6  }
0xaf: {  	[dreg:$0x4] =	wrdreg $0xC0  }
0xb0: {  	_ =	task [dreg:s9], $0x5FFFF  }
0xb1: {  	[dreg:$0x1] =	wrdreg $0xFFFFFFFF  }
0xb2: {  	[dreg:$0x0] =	wrdreg $0x60  }
0xb3: {  	[dreg:$0x2] =	wrdreg s14  }
0xb4: {  	[dreg:$0x3] =	wrdreg s2  }
0xb5: {  	[dreg:$0x4] =	wrdreg s3  }
0xb6: {  	[dreg:$0x5] =	wrdreg s15  }
0xb7: {  	[dreg:$0x6] =	wrdreg s16  }
0xb8: {  	[dreg:$0x7] =	wrdreg $0x23000  }
0xb9: {  	[dreg:$0x8] =	wrdreg $0x9  }
0xba: {  	_ =	task.clear_ibuf [dreg:s9], $0x9FFFF;
	_ =	strace $0x90000046  }
0xbb: {  	s26 =	simm.s32 $0x9;
	_ =	strace $0x80000048  }
0xbc: {  	_ =	swait.ge [sflag:s26], $0x1  }
0xbd: {  	[sflag:s26] =	ssyncadd.s32 $0xFFFFFFFF  }
0xbe: {  	_ =	strace $0x90000048  }
0xbf: {  	_ =	sfence  }
0xc0: {  	s28 =	sld [smem:$0x0];
	_ =	sdelay $0x1  }
0xc1: {  	s29 =	srdreg.scid  }
0xc2: {  	s30 =	sshll.u32 s29, $0xD;
	s31 =	sshrl.u32 s29, $0x2  }
0xc3: {  	s1 =	sand.u32 $0x1, s29;
	s2 =	sand.u32 $0x4000, s30;
	s0 =	sadd.s32 s31, s28  }
0xc4: {  	s1 =	sor.u32 s2, s1;
	s0 =	sshll.u32 s0, $0x11  }
0xc5: {  	s0 =	sor.u32 s0, s1  }
0xc6: {  	s0 =	sadd.s32 $0x8F2B, s0  }
0xc7: {  	[sflag:s0] =	ssyncadd.remote.s32 $0x1  }
0xc8: {  	_ =	sfence.sel $0xFFFF  }
0xc9: {  	[dreg:$0x0] =	wrdreg $0xFFFFFFFF;
	(pc) =	sbr.abs _section_cstart, $3  }
0xca: {  	[dreg:$0x1] =	wrdreg $0xFFFFFFFF  }
0xcb: {  	_ =	task.clear_ibuf [dreg:s9], $0x2FFFF;
	_ =	strace $0x9FFFFFFF  }
0xcc: {  	(tm) =	ssettm $0x7FFFFFFF  }
0xcd: {  	_ =	shalt  }
tec
execute0_lowered:
.L_overlay_start_1:
0x0: {  	(tag) =	ssettag $0x1  }
0x1: {  	s6 =	rddreg [dreg:$0x0]  }
0x2: {  	s7 =	rddreg [dreg:$0x1]  }
0x3: {  	s8 =	rddreg [dreg:$0x2]  }
0x4: {  	s2 =	rddreg [dreg:$0x3]  }
0x5: {  	s4 =	rddreg [dreg:$0x4]  }
0x6: {  	s3 =	rddreg [dreg:$0x5];
	s5 =	simm.s32 $0x0;
	s1 =	stileid.u32  }
0x7: {  	[smem:$0x7FF] =	sst s5;
	s9 =	sshll.u32 s1, $0xA  }
0x8: {  	s0 =	rddreg [dreg:$0x6];
	_ =	strace $0x80000047;
	s6 =	sadd.s32 s6, s9  }
0x9: {  	[tilespmem:s5], [sflag:$0x1] =	stream.linear.gather [hbm4b:s6+s5], $0x2000, $0x38;
	[tilespmem:$0x2310] =	vst v63  }
0xa: {  	s28 =	simm.s32 $0x2000  }
0xb: {  	[tilespmem:s28], [sflag:$0x2] =	stream.linear.gather [hbm4b:s7+s5], $0x80, $0x38;
	[tilespmem:$0x2310] =	vst v63  }
0xc: {  	s29 =	simm.s32 $0x2080;
	s30 =	simm.s32 $0x1  }
0xd: {  	[tilespmem:s29], [sflag:$0x3] =	stream.linear.gather [hbm4b:s8+s5], $0x80, $0x38;
	[tilespmem:$0x2310] =	vst v63  }
0xe: {  	_ =	swait.ge [sflag:s30], $0x2000  }
0xf: {  	[sflag:s30] =	ssyncset.done $0x0  }
0x10: {  	s31 =	simm.s32 $0x80;
	[sflag:s30] =	ssyncadd.s32 $0xFFFFE000  }
0x11: {  	v6 =	vld [tilespmem:s31+$0x30]  }
0x12: {  	v0 =	vld [tilespmem:s31+$0xFFFFFF90]  }
0x13: {  	v2 =	vld [tilespmem:s31+$0xFFFFFFA0]  }
0x14: {  	v8 =	vimm.f32 $-Inf;
	v9 =	vimm.s32 $0x0  }
0x15: {  	v13 =	vimm.s32 $0x0;
	v14 =	vimm.f32 $-Inf;
	v16 =	vimm.s32 $0x0;
	v5 =	vld [tilespmem:s31+$0xFFFFFFB0]  }
0x16: {  	v15 =	vimm.f32 $-Inf;
	v10 =	vimm.f32 $-Inf;
	v17 =	vimm.f32 $-Inf;
	v18 =	vld [tilespmem:s31+$0x0]  }
0x17: {  	v11 =	vimm.s32 $0x0;
	v12 =	vimm.s32 $0x0;
	v19 =	vld [tilespmem:s31+$0x10];
	vm0 =	vgt.f32 v6, v8  }
0x18: {  	s7 =	simm.s32 $0x1;
	v21 =	vld [tilespmem:s31+$0x20];
	vm1 =	vgt.f32 v0, v8;
	v0 =	vmax.f32 v0, v8;
	v4 =	vmax.f32 v2, v8  }
0x19: {  	s8 =	simm.s32 $0x180;
	v20 =	vld [tilespmem:s31+$0xFFFFFF80];
	v3 =	vsel vm0, s7, v9;
	v1 =	vsel vm1, s5, v9;
	vm0 =	vgt.f32 v2, v8  }
0x1a: {  	s9 =	simm.s32 $0x4;
	s6 =	simm.s32 $0x2;
	v7 =	vld [tilespmem:s8+$0x30];
	v2 =	vsel vm0, s5, v9;
	vm0 =	vgt.f32 v5, v8;
	v5 =	vmax.f32 v5, v8  }
.LBB2_1:
0x1b: {  	p0 =	sne.s32 s9, $0x3E;
	v22 =	vld [tilespmem:s8+$0xFFFFFF90];
	v9 =	vsel vm0, s5, v9;
	vm0 =	vgt.f32 v18, v8;
	v8 =	vmax.f32 v18, v8  }
0x1c: {  	v23 =	vld [tilespmem:s8+$0xFFFFFFA0];
	v13 =	vsel vm0, s7, v13;
	vm0 =	vgt.f32 v19, v14;
	v14 =	vmax.f32 v19, v14  }
0x1d: {  	v24 =	vld [tilespmem:s8+$0xFFFFFFB0];
	v16 =	vsel vm0, s7, v16;
	vm0 =	vgt.f32 v21, v15;
	v15 =	vmax.f32 v21, v15  }
.Ltmp0:
0x1e: {  	v17 =	vmax.f32 v6, v17;
	v18 =	vld [tilespmem:s8+$0x0];
	vm1 =	vgt.f32 v20, v10;
	v10 =	vmax.f32 v20, v10;
	(pc) =	sbr.rel @p0 .LBB2_1-.Ltmp0, $4  }
0x1f: {  	v12 =	vsel vm0, s7, v12;
	s7 =	sadd.s32 $0x1, s6;
	v19 =	vld [tilespmem:s8+$0x10];
	vm2 =	vgt.f32 v7, v17;
	v11 =	vsel vm1, s5, v11;
	v6 =	vmovc v7;
	s5 =	smov.u32 s6;
	s6 =	smov.u32 s9  }
0x20: {  	vm0 =	vgt.f32 v22, v0;
	v0 =	vmax.f32 v22, v0;
	v21 =	vld [tilespmem:s8+$0x20];
	v3 =	vsel vm2, s7, v3  }
0x21: {  	v20 =	vld [tilespmem:s8+$0xFFFFFF80];
	v1 =	vsel vm0, s5, v1;
	vm0 =	vgt.f32 v23, v4;
	v4 =	vmax.f32 v23, v4;
	s8 =	sadd.s32 $0x100, s8  }
0x22: {  	s9 =	sadd.s32 $0x2, s9;
	v7 =	vld [tilespmem:s8+$0x30];
	v2 =	vsel vm0, s5, v2;
	vm0 =	vgt.f32 v24, v5;
	v5 =	vmax.f32 v24, v5  }
0x23: {  	v22 =	vld [tilespmem:s8+$0xFFFFFF90]  }
0x24: {  	v9 =	vsel vm0, s5, v9;
	v40 =	vld [tilespmem:s8+$0xFFFFFFA0]  }
0x25: {  	vm9 =	vgt.f32 v18, v8;
	v39 =	vmax.f32 v18, v8;
	v42 =	vld [tilespmem:s8+$0xFFFFFFB0];
	v6 =	vmax.f32 v6, v17  }
0x26: {  	v44 =	vld [tilespmem:s8+$0x0];
	vm1 =	vgt.f32 v19, v14;
	v13 =	vsel vm9, s7, v13;
	v41 =	vmax.f32 v19, v14  }
0x27: {  	v46 =	vld [tilespmem:s8+$0x10];
	v16 =	vsel vm1, s7, v16;
	vm10 =	vgt.f32 v21, v15;
	v43 =	vmax.f32 v21, v15  }
0x28: {  	v47 =	vld [tilespmem:s8+$0x20];
	vm11 =	vgt.f32 v20, v10;
	v45 =	vmax.f32 v20, v10;
	v12 =	vsel vm10, s7, v12  }
0x29: {  	s9 =	sadd.s32 $0x1, s6;
	vm2 =	vgt.f32 v7, v6;
	v11 =	vsel vm11, s5, v11;
	v6 =	vmax.f32 v7, v6  }
0x2a: {  	vm12 =	vgt.f32 v22, v0;
	v22 =	vmax.f32 v22, v0;
	v0 =	vsel vm2, s9, v3  }
0x2b: {  	vm13 =	vgt.f32 v40, v4;
	v48 =	vmax.f32 v40, v4;
	vm14 =	vgt.f32 v42, v5  }
0x2c: {  	v49 =	vmax.f32 v42, v5;
	vm15 =	vgt.f32 v44, v39;
	v8 =	vmax.f32 v44, v39  }
0x2d: {  	vm4 =	vgt.f32 v46, v41;
	v14 =	vmax.f32 v46, v41;
	vm5 =	vgt.f32 v47, v43  }
0x2e: {  	v15 =	vmax.f32 v47, v43;
	v1 =	vsel vm12, s6, v1;
	v2 =	vsel vm13, s6, v2  }
0x2f: {  	v3 =	vld [tilespmem:s8+$0xFFFFFF80];
	v9 =	vsel vm14, s6, v9;
	v13 =	vsel vm15, s9, v13;
	v16 =	vsel vm4, s9, v16  }
0x30: {  	v51 =	vsel vm5, s9, v12;
	v54 =	vshll.u32 v0, $0x6;
	vm10 =	veq.f32 v14, v22  }
0x31: {  	vm11 =	vgt.f32 v14, v22;
	v0 =	vlaneseq.u32;
	vm12 =	vgt.f32 v15, v48  }
0x32: {  	vm13 =	veq.f32 v15, v48;
	vm15 =	veq.f32 v6, v49;
	v1 =	vshll.u32 v1, $0x6  }
0x33: {  	v2 =	vshll.u32 v2, $0x6;
	v9 =	vshll.u32 v9, $0x6;
	v52 =	vshll.u32 v13, $0x6  }
0x34: {  	v53 =	vshll.u32 v16, $0x6;
	v10 =	vshll.u32 v51, $0x6;
	vm6 =	vgt.f32 v3, v45  }
0x35: {  	v55 =	vor.u32 $0x10, v0;
	v57 =	vor.u32 $0x20, v0;
	v50 =	vsel vm6, s6, v11  }
0x36: {  	v58 =	vor.u32 $0x30, v0;
	v3 =	vmax.f32 v3, v45;
	v7 =	vshll.u32 v50, $0x6  }
0x37: {  	vm3 =	vlt.s32 v53, v1;
	vm8 =	veq.f32 v8, v3;
	vm9 =	vlt.s32 v52, v7  }
0x38: {  	vm14 =	vlt.s32 v10, v2;
	vm7 =	vgt.f32 v8, v3;
	vm1 =	vmand vm8, vm9  }
0x39: {  	vm2 =	vmand vm10, vm3;
	vm6 =	vlt.s32 v54, v9;
	vm0 =	vmor vm7, vm1  }
0x3a: {  	vm1 =	vmor vm11, vm2;
	vm7 =	vgt.f32 v6, v49;
	vm2 =	vmand vm15, vm6  }
0x3b: {  	v3 =	vsel vm0, v8, v3;
	v7 =	vsel vm0, v52, v7;
	v1 =	vsel vm1, v53, v1  }
0x3c: {  	v56 =	vsel vm1, v14, v22;
	vm1 =	vmand vm13, vm14;
	vm8 =	vmor vm7, vm2  }
0x3d: {  	v7 =	vor.u32 v0, v7;
	v1 =	vor.u32 v55, v1;
	vm0 =	vmor vm12, vm1  }
0x3e: {  	v9 =	vsel vm8, v54, v9;
	v5 =	vsel vm8, v6, v49;
	v2 =	vsel vm0, v10, v2  }
0x3f: {  	v4 =	vsel vm0, v15, v48;
	v59 =	vor.u32 v58, v9;
	v2 =	vor.u32 v57, v2  }
0x40: {  	vm12 =	veq.f32 v5, v56;
	vm10 =	veq.f32 v4, v3;
	vm11 =	vlt.s32 v2, v7  }
0x41: {  	vm9 =	vgt.f32 v4, v3;
	vm13 =	vlt.s32 v59, v1;
	vm1 =	vmand vm10, vm11  }
0x42: {  	vm15 =	vgt.f32 v5, v56;
	vm14 =	vmand vm12, vm13;
	vm0 =	vmor vm9, vm1  }
0x43: {  	vm1 =	vmor vm15, vm14;
	v3 =	vsel vm0, v4, v3  }
0x44: {  	v2 =	vsel vm0, v2, v7;
	v60 =	vsel vm1, v5, v56;
	v1 =	vsel vm1, v59, v1  }
0x45: {  	vm4 =	veq.f32 v60, v3;
	vm1 =	vlt.s32 v1, v2  }
0x46: {  	vm5 =	vgt.f32 v60, v3;
	vm0 =	vmand vm4, vm1  }
0x47: {  	vm0 =	vmor vm5, vm0  }
0x48: {  	v3 =	vsel vm0, v60, v3  }
0x49: {  	(xrf0) =	vmax.scan.msk.f32 $0xffff, v3;
	_ =	sdelay $0x5  }
0x4a: {  	v61, _, _ =	vpop (xrf0)  }
0x4b: {  	v62 =	vbroadcast v61, $0xF  }
0x4c: {  	v1 =	vsel vm0, v1, v2  }
0x4d: {  	v1 =	vxor.u32 $0x80000000, v1;
	vm6 =	veq.f32 v3, v62  }
0x4e: {  	v1 =	vnsel vm6, $0x80001000, v1  }
0x4f: {  	(xrf0) =	vmin.scan.msk.u32 $0xffff, v1;
	_ =	sdelay $0x5  }
0x50: {  	(v2sf) =	vpush v61, $0xF;
	v1, _, _ =	vpop (xrf0)  }
0x51: {  	(v2sf) =	vpush v1, $0xF;
	_ =	sdelay $0xd  }
0x52: {  	s30 =	spop (v2sf)  }
0x53: {  	s31 =	spop (v2sf)  }
0x54: {  	v1 =	vimm.s32 $0xD;
	p0 =	sgt.f32 s30, $0.0e+00;
	s6 =	sshra.s32 s31, $0x6  }
0x55: {  	v1 =	vunpack.c.l.s2.s4 v1;
	s5 =	sand.u32 $0x3F, s31;
	s9 =	sxor.u32 $0xFE000000, s6  }
0x56: {  	s5 =	simm.s32 @!p0 $0xFFFFFFFF;
	s9 =	simm.s32 @!p0 $0xFFFFFFFF  }
0x57: {  	v1 =	vunpack.c.l.s4.s8 v1;
	s6 =	scvt.s32.f32 s5;
	p1 =	sgt.s32 s5, $0x1;
	p0 =	sgt.s32 s9, $0x1  }
0x58: {  	s14 =	scvt.s32.f32 s9;
	s15 =	sadd.s32 $0xFFFFFFFE, s9;
	s9 =	simm.s32 @!p0 $0x1  }
0x59: {  	vm7 =	vcmask $0xB08;
	v2 =	vimm.s32 $0x0;
	v1 =	vunpack.c.0.s8.s32 v1;
	s10 =	sadd.s32 $0xFFFFFFFE, s5;
	s5 =	simm.s32 @!p1 $0x1;
	s9 =	smin.u32 s9, $0x3E  }
0x5a: {  	vm8 =	vcmask $0xF0C;
	v2 =	vsel vm7, $0x80, v2;
	s5 =	smin.u32 s5, $0x3E;
	v3 =	vmov s9  }
0x5b: {  	v2 =	vsel vm8, $0xFFFFFF80, v2;
	v1 =	vadd.s32 s5, v1;
	v3 =	vshll.u32 v3, $0x7  }
0x5c: {  	v63 =	vand.u32 $0xFFFFFF80, v1;
	v2 =	vadd.s32 v2, v3  }
0x5d: {  	v1 =	vand.u32 $0x7F, v1;
	v2 =	vadd.s32 v63, v2  }
0x5e: {  	v1 =	vor.u32 v1, v2;
	_ =	sdelay $0x3  }
0x5f: {  	s5 =	simm.s32 $0x0  }
0x60: {  	v1 =	vld.idx.msk [tilespmem:v1+s5+$0x0], $0xffff;
	_ =	sdelay $0x4  }
0x61: {  	v2 =	vsub.f32 $0.0e+00, v1  }
0x62: {  	vm9 =	vcmask $0x3F08  }
0x63: {  	vm10 =	vmmov $0x1;
	vm11 =	vcmask $0x710;
	v3 =	vsel vm9, $0x0, v2  }
0x64: {  	vm12 =	vcmask $0x70C;
	v2 =	vsel vm11, $0x0, v2;
	v3 =	vsel vm10, v1, v3  }
0x65: {  	v1 =	vsel vm12, v2, v1;
	(xrf2) =	vadd.scan.msk.f32 $0xffff, v3  }
0x66: {  	(xrf2) =	vadd.scan.msk.f32 $0xffff, v1;
	_ =	sdelay $0x8  }
0x67: {  	v1, _, _ =	vpop (xrf2)  }
0x68: {  	(v2sf) =	vpush v1, $0xF;
	v1, _, _ =	vpop (xrf2)  }
0x69: {  	(v2sf) =	vpush v1, $0xF;
	_ =	sdelay $0xd  }
0x6a: {  	s9 =	spop (v2sf)  }
0x6b: {  	s12 =	simm.s32 $0x2;
	s11 =	spop (v2sf)  }
0x6c: {  	vm13 =	vcmask $0x300;
	v1 =	vimm.s32 $0x1;
	_ =	swait.ge [sflag:s12], $0x80  }
0x6d: {  	v1 =	vsel vm13, $0x0, v1;
	[sflag:s12] =	ssyncset.done $0x0  }
0x6e: {  	s16 =	simm.s32 $0x3;
	[sflag:s12] =	ssyncadd.s32 $0xFFFFFF80  }
0x6f: {  	_ =	swait.ge [sflag:s16], $0x80  }
0x70: {  	[sflag:s16] =	ssyncset.done $0x0  }
0x71: {  	s17 =	simm.s32 $0x2000;
	[sflag:s16] =	ssyncadd.s32 $0xFFFFFF80  }
0x72: {  	v2 =	vld.idx.msk [tilespmem:v1+s17+$0x0], $0xffff  }
0x73: {  	s18 =	simm.s32 $0x2080  }
0x74: {  	v1 =	vld.idx.msk [tilespmem:v1+s18+$0x0], $0xffff;
	_ =	sdelay $0x2  }
0x75: {  	(v2sf) =	vpush v2, $0x0  }
0x76: {  	(v2sf) =	vpush v2, $0x1  }
0x77: {  	(v2sf) =	vpush v1, $0x0  }
0x78: {  	(v2sf) =	vpush v1, $0x1;
	_ =	sdelay $0x6  }
0x79: {  	s19 =	simm.f32 $1.000000000e+00  }
0x7a: {  	s13 =	sand.u32 $0x80000000, s9;
	p0 =	slt.f32 s9, $0.0e+00;
	s12 =	sand.u32 $0x7FFFFFFF, s19  }
0x7b: {  	p6 =	slt.u32 s10, $0x3D;
	p2 =	sgt.f32 s9, $0.0e+00;
	s10 =	sor.u32 s13, s12  }
0x7c: {  	s21 =	sand.u32 $0x80000000, s11;
	s9 =	smov.u32 @p0 s10;
	p0 =	slt.f32 s11, $0.0e+00  }
0x7d: {  	s8 =	sor.u32 s21, s12;
	s9 =	smov.u32 @p2 s10;
	p2 =	sgt.f32 s11, $0.0e+00  }
0x7e: {  	p3 =	slt.u32 s15, $0x3D;
	s11 =	smov.u32 @p0 s8;
	s20 =	spop (v2sf)  }
0x7f: {  	s9 =	smul.f32 $2.500000000e-01, s9;
	s11 =	smov.u32 @p2 s8;
	s22 =	spop (v2sf)  }
0x80: {  	p1 =	por !p6, !p3;
	s8 =	smul.f32 $2.500000000e-01, s11;
	s23 =	spop (v2sf)  }
0x81: {  	p0 =	por !p1, !p1;
	s24 =	smul.f32 $2.000000000e+02, s23;
	s25 =	spop (v2sf)  }
0x82: {  	s9 =	simm.s32 @!p0 $0x0;
	s26 =	smul.f32 $2.000000000e+02, s25  }
0x83: {  	s7 =	sadd.f32 s6, s9;
	s8 =	simm.s32 @!p0 $0x0;
	s28 =	smul.f32 $1.562500000e-02, s24  }
0x84: {  	s6 =	sadd.f32 s14, s8;
	s29 =	smul.f32 $1.562500000e-02, s26  }
0x85: {  	s7 =	smul.f32 s28, s7  }
0x86: {  	s6 =	smul.f32 s29, s6  }
0x87: {  	s30 =	smul.f32 $5.000000000e-01, s24;
	s7 =	sadd.f32 s7, s20  }
0x88: {  	s9 =	smul.f32 $5.000000000e-01, s26;
	s6 =	sadd.f32 s6, s22  }
0x89: {  	s7 =	ssub.f32 s7, s30  }
0x8a: {  	vm14 =	veq.s32 v0, $0x0;
	v1 =	vnsel vm7, $0x0, v62;
	s6 =	ssub.f32 s6, s9  }
0x8b: {  	vm15 =	veq.s32 v0, $0x1;
	v1 =	vsel vm14, s7, v1  }
0x8c: {  	s31 =	sshll.u32 s1, $0x4;
	v1 =	vsel vm15, s6, v1  }
0x8d: {  	s7 =	sadd.s32 s31, s3;
	s6 =	simm.s32 $0x2100;
	[tilespmem:$0x2100] =	vst v1  }
0x8e: {  	[spmem:s7] =	stream.linear.scatter [tilespmem:s6], [sflag:$0x4], $0x10, $0x38;
	[tilespmem:$0x2310] =	vst v63  }
0x8f: {  	p0 =	seq.s32 s1, $0x1;
	s7 =	simm.s32 $0x4  }
.Ltmp1:
0x90: {  	_ =	swait.ge [sflag:s7], $0x10;
	(pc) =	sbr.rel @p0 .LBB2_5-.Ltmp1, $3  }
0x91: {  	[sflag:s7] =	ssyncset.done $0x0  }
0x92: {  	[sflag:s7] =	ssyncadd.s32 $0xFFFFFFF0  }
0x93: {  	[bflag:$0x0] =	sbarrier.arrive $0xFFFF;
	_ =	sdelay $0x1  }
0x94: {  	p0 =	sne.s32 s1, $0x0  }
.Ltmp2:
0x95: {  	_ = 	snop;
	(pc) =	sbr.rel @p0 .LBB2_7-.Ltmp2, $1  }
0x96: {  	_ =	sdelay $0x3  }
0x97: {  	v0 =	vimm.s32 $0x51504140;
	v1 =	vimm.s32 $0x71706160  }
0x98: {  	vm0 =	vcmask $0x1F10;
	v2 =	vimm.s32 $0x11100100;
	v3 =	vimm.s32 $0x31302120  }
0x99: {  	v4 =	vimm.s32 $0xD1D0C1C0;
	v5 =	vimm.s32 $0xF1F0E1E0;
	v6 =	vimm.s32 $0x91908180  }
0x9a: {  	v7 =	vimm.s32 $0xB1B0A1A0;
	v0 =	vunpack.c.0.s8.s32 v0;
	v1 =	vunpack.c.0.s8.s32 v1  }
0x9b: {  	v2 =	vunpack.c.0.s8.s32 v2;
	v3 =	vunpack.c.0.s8.s32 v3;
	v4 =	vunpack.c.0.s8.s32 v4  }
0x9c: {  	v5 =	vunpack.c.0.s8.s32 v5;
	v6 =	vunpack.c.0.s8.s32 v6;
	v7 =	vunpack.c.0.s8.s32 v7  }
0x9d: {  	v0 =	vsel vm0, v1, v0  }
0x9e: {  	v60 =	vsel vm0, v3, v2;
	v61 =	vsel vm0, v5, v4;
	v62 =	vsel vm0, v7, v6  }
0x9f: {  	v0 =	vcombine.low v60, v0;
	v63 =	vcombine.low v62, v61  }
0xa0: {  	s4 =	simm.s32 $0x2180;
	s29 =	simm.s32 $0x4  }
0xa1: {  	[tilespmem:s4], [sflag:$0x4] =	stream.linear.gather [spmem:s3], $0x100, $0x38;
	v1 =	vand.u32 $0xFF, v63;
	[tilespmem:$0x2310] =	vst v63  }
0xa2: {  	_ =	swait.ge [sflag:s29], $0x100  }
0xa3: {  	[sflag:s29] =	ssyncset.done $0x0  }
0xa4: {  	[sflag:s29] =	ssyncadd.s32 $0xFFFFFF00  }
0xa5: {  	v0 =	vld.idx.msk [tilespmem:v0+s4+$0x0], $0xffff  }
0xa6: {  	v1 =	vld.idx.msk [tilespmem:v1+s4+$0x0], $0xffff;
	_ =	sdelay $0x1  }
.Ltmp3:
0xa7: {  	_ = 	snop;
	(pc) =	sbr.rel .LBB2_6-.Ltmp3, $4  }
0xa8: {  	_ = 	snop  }
0xa9: {  	[tilespmem:$0x2280] =	vst v0  }
0xaa: {  	s30 =	simm.s32 $0x0;
	s31 =	simm.s32 $0x2280;
	[tilespmem:$0x2290] =	vst v1  }
0xab: {  	[hbm4b:s2+s30] =	stream.linear.scatter [tilespmem:s31], [sflag:$0x4], $0x80, $0x38;
	[tilespmem:$0x2310] =	vst v63  }
.LBB2_5:
0xac: {  	v0 =	vmul.u32 $0x10, v0;
	_ =	sdelay $0x1  }
0xad: {  	s2 =	simm.s32 $0x2180;
	v0 =	vor.u32 $0x2, v0  }
0xae: {  	[tilespmem:s2], [sflag:$0x4] =	stream.linear.gather [spmem:s3], $0x100, $0x38;
	[tilespmem:$0x2310] =	vst v63  }
0xaf: {  	_ =	swait.ge [sflag:s7], $0x100  }
0xb0: {  	[sflag:s7] =	ssyncset.done $0x0  }
0xb1: {  	[sflag:s7] =	ssyncadd.s32 $0xFFFFFF00  }
0xb2: {  	v0 =	vld.idx.msk [tilespmem:v0+s2+$0x0], $0xffff;
	_ =	sdelay $0x4  }
0xb3: {  	[tilespmem:$0x2100] =	vst v0  }
0xb4: {  	[hbm4b:s4+s5] =	stream.linear.scatter [tilespmem:s6], [sflag:$0x4], $0x80, $0x38;
	[tilespmem:$0x2310] =	vst v63  }
.LBB2_6:
0xb5: {  	s2 =	simm.s32 $0x4  }
0xb6: {  	_ =	swait.ge [sflag:s2], $0x80  }
0xb7: {  	[sflag:s2] =	ssyncset.done $0x0  }
0xb8: {  	[sflag:s2] =	ssyncadd.s32 $0xFFFFFF80  }
.LBB2_7:
0xb9: {  	_ =	sfence.sel $0x180000  }
0xba: {  	[bflag:$0x0] =	sbarrier.arrive $0xFFFF  }
0xbb: {  	p0 =	sne.s32 s1, $0x0;
	_ =	strace $0x90000047  }
0xbc: {  	s0 =	sadd.s32 @!p0 $0x100000, s0;
	[bflag:$0x2] =	sbarrier.arrive $0xFFFF  }
0xbd: {  	[sflag:s0] =	ssyncadd.tile.s32 @!p0 $0x1;
	_ =	shalt  }
.Lfunc_end2:
_tile_overlayer_lowered:
.L_overlay_start_2:
0xbe: {  	(tag) =	ssettag $0x2  }
0xbf: {  	s0 =	rddreg [dreg:$0x0];
	s2 =	stileid.u32  }
0xc0: {  	s1 =	rddreg [dreg:$0x1];
	p0 =	sne.s32 s2, $0x0  }
0xc1: {  	s3 =	rddreg [dreg:$0x2];
	[bflag:$0x3] =	sbarrier.arrive $0xFFFF;
	s2 =	simm.s32 @!p0 $0x1C04  }
0xc2: {  	[timem:s3], [sflag:s2] =	dma.local @!p0 [hbm:s0], s1  }
0xc3: {  	s0 =	simm.s32 @!p0 $0x4  }
0xc4: {  	_ =	swait.ge @!p0 [sflag:s0], s1  }
0xc5: {  	s1 =	ssub.s32 @!p0 $0x0, s1;
	[sflag:s0] =	ssyncset.done @!p0 $0x0  }
0xc6: {  	[sflag:s0] =	ssyncadd.s32 @!p0 s1  }
0xc7: {  	[bflag:$0x3] =	sbarrier.arrive $0xFFFF  }
0xc8: {  	_ =	shalt  }

</sc_bundles>
